<compile_context>
chip_gen: v7x
topology: tpu7x:2x2x1
jax: 0.10.2.dev20260603
libtpu: 0.0.44.dev20260713+nightly
codegen_flags: <defaults>
</compile_context>

<pallas_src>
import functools

import jax
import jax.numpy as jnp
from jax import lax
from jax.experimental import pallas as pl
from jax.experimental.pallas import tpu as pltpu
from jax.experimental.pallas import tpu_sc as plsc

_BATCH = 16384
_D = 64
_CLS = 100000
_NC = 2
_NS = 16
_NW = _NC * _NS
_WAVES = _D // _NW
_LANES = 16
_FCHUNK = 4096
_NFC = _BATCH // _FCHUNK
_UNROLL = 8

_mesh = plsc.VectorSubcoreMesh(core_axis_name="c", subcore_axis_name="s")


@functools.partial(
    pl.kernel,
    out_type=jax.ShapeDtypeStruct((_NW, _LANES), jnp.float32),
    mesh=_mesh,
    scratch_types=[
        pltpu.VMEM((_CLS,), jnp.float32),
        pltpu.VMEM((_BATCH,), jnp.int32),
        pltpu.VMEM((_FCHUNK,), jnp.float32),
        pltpu.VMEM((_FCHUNK,), jnp.float32),
        pltpu.VMEM((_LANES,), jnp.float32),
        pltpu.SemaphoreType.DMA,
        pltpu.SemaphoreType.DMA,
        pltpu.SemaphoreType.DMA,
    ],
    compiler_params=pltpu.CompilerParams(needs_layout_passes=False),
)
def _center_loss_partials(feat_hbm, lab_hbm, cent_hbm, out_hbm,
                          crow_v, lab_v, fb0_v, fb1_v, acc_v,
                          csem, fsem0, fsem1):
    wid = lax.axis_index("c") * _NS + lax.axis_index("s")

    fbufs = (fb0_v, fb1_v)
    fsems = (fsem0, fsem1)

    def fire_fchunk(d, fc):
        return pltpu.async_copy(
            feat_hbm.at[d, pl.ds(fc * _FCHUNK, _FCHUNK)],
            fbufs[fc % 2], fsems[fc % 2])

    d0 = wid * _WAVES
    cw = pltpu.async_copy(cent_hbm.at[d0], crow_v, csem)
    fw = fire_fchunk(d0, 0)
    pltpu.sync_copy(lab_hbm, lab_v)

    accs = [jnp.zeros((_LANES,), jnp.float32) for _ in range(_UNROLL)]
    for w in range(_WAVES):
        d = d0 + w
        cw.wait()
        for fc in range(_NFC):
            fw.wait()
            fbuf = fbufs[fc % 2]
            if fc + 1 < _NFC:
                fw = fire_fchunk(d, fc + 1)
            base = fc * _FCHUNK

            def blk(i, accs, fbuf=fbuf, base=base):
                accs = list(accs)
                for u in range(_UNROLL):
                    o = (i * _UNROLL + u) * _LANES
                    idx = lab_v[pl.ds(base + o, _LANES)]
                    c = plsc.load_gather(crow_v, [idx])
                    f = fbuf[pl.ds(o, _LANES)]
                    df = f - c
                    accs[u] = accs[u] + df * df
                return tuple(accs)

            accs = lax.fori_loop(
                0, _FCHUNK // (_LANES * _UNROLL), blk, tuple(accs))
            accs = list(accs)
        if w + 1 < _WAVES:
            cw = pltpu.async_copy(cent_hbm.at[d0 + w + 1], crow_v, csem)
            fw = fire_fchunk(d0 + w + 1, 0)

    r = accs[0]
    for u in range(1, _UNROLL):
        r = r + accs[u]
    acc_v[...] = r
    pltpu.sync_copy(acc_v, out_hbm.at[wid])


def kernel(features, labels, centers):
    labels = labels.astype(jnp.int32)
    partials = _center_loss_partials(features.T, labels, centers.T)
    return jnp.sum(partials) / jnp.float32(_BATCH)

# --- scband reference (transcript-rebuilt; emitter-appended) ---
"""Pipeline reference for scband-center-loss-38732015075842 (READ-ONLY COPY).

The authoritative reference and input builder live on the scoring server;
editing this copy changes nothing except your own understanding.
"""

import jax, jax.numpy as jnp
import numpy as np

NUM_CLASSES = 100000
FEAT_DIM = 64
BATCH = 16384


def setup_inputs(seed: int = 0) -> dict:
    key = jax.random.key(seed)
    k1, k2, k3 = jax.random.split(key, 3)
    features = jax.random.normal(k1, (BATCH, FEAT_DIM), dtype=jnp.float32)
    labels = jax.random.randint(k2, (BATCH,), 0, NUM_CLASSES, dtype=jnp.int64 if jax.config.read('jax_enable_x64') else jnp.int32)
    centers = jax.random.normal(k3, (NUM_CLASSES, FEAT_DIM), dtype=jnp.float32)
    return {"features": features, "labels": labels, "centers": centers}


def reference(features, labels, centers):
    # centers_batch = self.centers[labels]  -> gather (SparseCore-friendly)
    centers_batch = jnp.take(centers, labels, axis=0)
    # ((features - centers_batch) ** 2).sum(dim=1).mean()
    return jnp.mean(jnp.sum((features - centers_batch) ** 2, axis=1))

if __name__ == "__main__":
    import jax
    _d = setup_inputs()
    print(jax.jit(kernel)(*tuple(_d.values())))

</pallas_src>

<mosaic_0001>
#map = affine_map<(d0, d1) -> (0, 0)>
#map1 = affine_map<(d0, d1) -> (0)>
module attributes {stable_mosaic.version = 14 : i64} {
  func.func @_center_loss_partials(%arg0: i32, %arg1: i32, %arg2: memref<64x16384xf32, #tpu.memory_space<hbm>>, %arg3: memref<16384xi32, #tpu.memory_space<hbm>>, %arg4: memref<64x100000xf32, #tpu.memory_space<hbm>>, %arg5: memref<32x16xf32, #tpu.memory_space<hbm>>, %arg6: memref<100000xf32, #tpu.memory_space<vmem>>, %arg7: memref<16384xi32, #tpu.memory_space<vmem>>, %arg8: memref<4096xf32, #tpu.memory_space<vmem>>, %arg9: memref<4096xf32, #tpu.memory_space<vmem>>, %arg10: memref<16xf32, #tpu.memory_space<vmem>>, %arg11: memref<!tpu.dma_semaphore, #tpu.memory_space<semaphore_mem>>, %arg12: memref<!tpu.dma_semaphore, #tpu.memory_space<semaphore_mem>>, %arg13: memref<!tpu.dma_semaphore, #tpu.memory_space<semaphore_mem>>) attributes {dimension_semantics = [#tpu.dimension_semantics<core_parallel>, #tpu.dimension_semantics<subcore_parallel>], iteration_bounds = array<i64: 2, 16>, scalar_prefetch = 0 : i64, scratch_operands = 8 : i64, tpu.core_type = #tpu.core_type<sc_vector_subcore>, window_params = [{transform_indices = #map}, {transform_indices = #map1}, {transform_indices = #map}, {transform_indices = #map}]} {
    %mul3A = arith.constant 16 : i32
    %mul3A_0 = arith.muli %arg0, %mul3A : i32
    %add3A = arith.addi %mul3A_0, %arg1 : i32
    %mul3A_1 = arith.constant 2 : i32
    %mul3A_2 = arith.muli %add3A, %mul3A_1 : i32
    %dma_start3A = arith.constant 0 : i32
    %dma_start3A_3 = tpu.memref_slice %arg4[%mul3A_2, %dma_start3A] : memref<64x100000xf32, #tpu.memory_space<hbm>> -> memref<1x100000xf32, #tpu.memory_space<hbm>>
    %dma_start3A_4 = tpu.memref_squeeze %dma_start3A_3 : memref<1x100000xf32, #tpu.memory_space<hbm>> -> memref<100000xf32, #tpu.memory_space<hbm>>
    %dma_start3A_5 = arith.constant 0 : i32
    %dma_start3A_6 = tpu.memref_slice %arg4[%mul3A_2, %dma_start3A_5] : memref<64x100000xf32, #tpu.memory_space<hbm>> -> memref<1x100000xf32, #tpu.memory_space<hbm>>
    %dma_start3A_7 = tpu.memref_squeeze %dma_start3A_6 : memref<1x100000xf32, #tpu.memory_space<hbm>> -> memref<100000xf32, #tpu.memory_space<hbm>>
    tpu.enqueue_dma source(%dma_start3A_7 : memref<100000xf32, #tpu.memory_space<hbm>>) target(%arg6 : memref<100000xf32, #tpu.memory_space<vmem>>) target_semaphore(%arg11 : memref<!tpu.dma_semaphore, #tpu.memory_space<semaphore_mem>>)
    %dma_start3A_8 = arith.constant 0 : i32
    %dma_start3A_9 = tpu.memref_slice %arg2[%mul3A_2, %dma_start3A_8] : memref<64x16384xf32, #tpu.memory_space<hbm>> -> memref<1x4096xf32, #tpu.memory_space<hbm>>
    %dma_start3A_10 = tpu.memref_squeeze %dma_start3A_9 : memref<1x4096xf32, #tpu.memory_space<hbm>> -> memref<4096xf32, #tpu.memory_space<hbm>>
    %dma_start3A_11 = arith.constant 0 : i32
    %dma_start3A_12 = tpu.memref_slice %arg2[%mul3A_2, %dma_start3A_11] : memref<64x16384xf32, #tpu.memory_space<hbm>> -> memref<1x4096xf32, #tpu.memory_space<hbm>>
    %dma_start3A_13 = tpu.memref_squeeze %dma_start3A_12 : memref<1x4096xf32, #tpu.memory_space<hbm>> -> memref<4096xf32, #tpu.memory_space<hbm>>
    tpu.enqueue_dma source(%dma_start3A_13 : memref<4096xf32, #tpu.memory_space<hbm>>) target(%arg8 : memref<4096xf32, #tpu.memory_space<vmem>>) target_semaphore(%arg12 : memref<!tpu.dma_semaphore, #tpu.memory_space<semaphore_mem>>)
    "tpu.region"() ({
      %run_scoped3A = tpu.sem_alloc : memref<!tpu.dma_semaphore, #tpu.memory_space<semaphore_mem>>
      tpu.enqueue_dma source(%arg3 : memref<16384xi32, #tpu.memory_space<hbm>>) target(%arg7 : memref<16384xi32, #tpu.memory_space<vmem>>) target_semaphore(%run_scoped3A : memref<!tpu.dma_semaphore, #tpu.memory_space<semaphore_mem>>)
      tpu.wait_dma2 semaphore(%run_scoped3A : memref<!tpu.dma_semaphore, #tpu.memory_space<semaphore_mem>>) src(%arg3 : memref<16384xi32, #tpu.memory_space<hbm>>) dst(%arg7 : memref<16384xi32, #tpu.memory_space<vmem>>)
      tpu.yield
    }) : () -> ()
    %broadcast_in_dim3A = arith.constant 0.000000e+00 : f32
    %broadcast_in_dim3A_14 = vector.broadcast %broadcast_in_dim3A : f32 to vector<16xf32>
    %broadcast_in_dim3A_15 = arith.constant 0.000000e+00 : f32
    %broadcast_in_dim3A_16 = vector.broadcast %broadcast_in_dim3A_15 : f32 to vector<16xf32>
    %broadcast_in_dim3A_17 = arith.constant 0.000000e+00 : f32
    %broadcast_in_dim3A_18 = vector.broadcast %broadcast_in_dim3A_17 : f32 to vector<16xf32>
    %broadcast_in_dim3A_19 = arith.constant 0.000000e+00 : f32
    %broadcast_in_dim3A_20 = vector.broadcast %broadcast_in_dim3A_19 : f32 to vector<16xf32>
    %broadcast_in_dim3A_21 = arith.constant 0.000000e+00 : f32
    %broadcast_in_dim3A_22 = vector.broadcast %broadcast_in_dim3A_21 : f32 to vector<16xf32>
    %broadcast_in_dim3A_23 = arith.constant 0.000000e+00 : f32
    %broadcast_in_dim3A_24 = vector.broadcast %broadcast_in_dim3A_23 : f32 to vector<16xf32>
    %broadcast_in_dim3A_25 = arith.constant 0.000000e+00 : f32
    %broadcast_in_dim3A_26 = vector.broadcast %broadcast_in_dim3A_25 : f32 to vector<16xf32>
    %broadcast_in_dim3A_27 = arith.constant 0.000000e+00 : f32
    %broadcast_in_dim3A_28 = vector.broadcast %broadcast_in_dim3A_27 : f32 to vector<16xf32>
    %add3A_29 = arith.constant 0 : i32
    %add3A_30 = arith.addi %mul3A_2, %add3A_29 : i32
    %dma_wait3A = arith.constant 0 : i32
    %dma_wait3A_31 = tpu.memref_slice %arg4[%mul3A_2, %dma_wait3A] : memref<64x100000xf32, #tpu.memory_space<hbm>> -> memref<1x100000xf32, #tpu.memory_space<hbm>>
    %dma_wait3A_32 = tpu.memref_squeeze %dma_wait3A_31 : memref<1x100000xf32, #tpu.memory_space<hbm>> -> memref<100000xf32, #tpu.memory_space<hbm>>
    %dma_wait3A_33 = arith.constant 0 : i32
    %dma_wait3A_34 = tpu.memref_slice %arg4[%mul3A_2, %dma_wait3A_33] : memref<64x100000xf32, #tpu.memory_space<hbm>> -> memref<1x100000xf32, #tpu.memory_space<hbm>>
    %dma_wait3A_35 = tpu.memref_squeeze %dma_wait3A_34 : memref<1x100000xf32, #tpu.memory_space<hbm>> -> memref<100000xf32, #tpu.memory_space<hbm>>
    tpu.wait_dma2 semaphore(%arg11 : memref<!tpu.dma_semaphore, #tpu.memory_space<semaphore_mem>>) src(%dma_wait3A_35 : memref<100000xf32, #tpu.memory_space<hbm>>) dst(%arg6 : memref<100000xf32, #tpu.memory_space<vmem>>)
    %dma_wait3A_36 = arith.constant 0 : i32
    %dma_wait3A_37 = tpu.memref_slice %arg2[%mul3A_2, %dma_wait3A_36] : memref<64x16384xf32, #tpu.memory_space<hbm>> -> memref<1x4096xf32, #tpu.memory_space<hbm>>
    %dma_wait3A_38 = tpu.memref_squeeze %dma_wait3A_37 : memref<1x4096xf32, #tpu.memory_space<hbm>> -> memref<4096xf32, #tpu.memory_space<hbm>>
    %dma_wait3A_39 = arith.constant 0 : i32
    %dma_wait3A_40 = tpu.memref_slice %arg2[%mul3A_2, %dma_wait3A_39] : memref<64x16384xf32, #tpu.memory_space<hbm>> -> memref<1x4096xf32, #tpu.memory_space<hbm>>
    %dma_wait3A_41 = tpu.memref_squeeze %dma_wait3A_40 : memref<1x4096xf32, #tpu.memory_space<hbm>> -> memref<4096xf32, #tpu.memory_space<hbm>>
    tpu.wait_dma2 semaphore(%arg12 : memref<!tpu.dma_semaphore, #tpu.memory_space<semaphore_mem>>) src(%dma_wait3A_41 : memref<4096xf32, #tpu.memory_space<hbm>>) dst(%arg8 : memref<4096xf32, #tpu.memory_space<vmem>>)
    %dma_start3A_42 = arith.constant 4096 : i32
    %dma_start3A_43 = tpu.memref_slice %arg2[%add3A_30, %dma_start3A_42] : memref<64x16384xf32, #tpu.memory_space<hbm>> -> memref<1x4096xf32, #tpu.memory_space<hbm>>
    %dma_start3A_44 = tpu.memref_squeeze %dma_start3A_43 : memref<1x4096xf32, #tpu.memory_space<hbm>> -> memref<4096xf32, #tpu.memory_space<hbm>>
    %dma_start3A_45 = arith.constant 4096 : i32
    %dma_start3A_46 = tpu.memref_slice %arg2[%add3A_30, %dma_start3A_45] : memref<64x16384xf32, #tpu.memory_space<hbm>> -> memref<1x4096xf32, #tpu.memory_space<hbm>>
    %dma_start3A_47 = tpu.memref_squeeze %dma_start3A_46 : memref<1x4096xf32, #tpu.memory_space<hbm>> -> memref<4096xf32, #tpu.memory_space<hbm>>
    tpu.enqueue_dma source(%dma_start3A_47 : memref<4096xf32, #tpu.memory_space<hbm>>) target(%arg9 : memref<4096xf32, #tpu.memory_space<vmem>>) target_semaphore(%arg13 : memref<!tpu.dma_semaphore, #tpu.memory_space<semaphore_mem>>)
    %scan3A = arith.constant 0 : i32
    %scan3A_48 = arith.constant 32 : i32
    %scan3A_49 = arith.addi %scan3A, %scan3A_48 : i32
    %scan3A_50 = arith.constant 1 : i32
    %scan3A_51:8 = scf.for %scan3A_203 = %scan3A to %scan3A_49 step %scan3A_50 iter_args(%scan3A_204 = %broadcast_in_dim3A_14, %scan3A_205 = %broadcast_in_dim3A_16, %scan3A_206 = %broadcast_in_dim3A_18, %scan3A_207 = %broadcast_in_dim3A_20, %scan3A_208 = %broadcast_in_dim3A_22, %scan3A_209 = %broadcast_in_dim3A_24, %scan3A_210 = %broadcast_in_dim3A_26, %scan3A_211 = %broadcast_in_dim3A_28) -> (vector<16xf32>, vector<16xf32>, vector<16xf32>, vector<16xf32>, vector<16xf32>, vector<16xf32>, vector<16xf32>, vector<16xf32>)  : i32 {
      %mul3A_212 = arith.constant 8 : i32
      %mul3A_213 = arith.muli %scan3A_203, %mul3A_212 : i32
      %add3A_214 = arith.constant 0 : i32
      %add3A_215 = arith.addi %mul3A_213, %add3A_214 : i32
      %mul3A_216 = arith.constant 16 : i32
      %mul3A_217 = arith.muli %add3A_215, %mul3A_216 : i32
      %add3A_218 = arith.constant 0 : i32
      %add3A_219 = arith.addi %add3A_218, %mul3A_217 : i32
      %get3A = arith.index_cast %add3A_219 : i32 to index
      %get3A_220 = tpu.vector_load %arg7[%get3A] {strides = array<i32>} : memref<16384xi32, #tpu.memory_space<vmem>>, vector<16xi32>,
      %gather3A = tpu.vector_load_idx %arg6[%get3A_220] : memref<100000xf32, #tpu.memory_space<vmem>>[vector<16xi32>], vector<16xf32>,
      %get3A_221 = arith.index_cast %mul3A_217 : i32 to index
      %get3A_222 = tpu.vector_load %arg8[%get3A_221] {strides = array<i32>} : memref<4096xf32, #tpu.memory_space<vmem>>, vector<16xf32>,
      %sub3A = arith.subf %get3A_222, %gather3A : vector<16xf32>
      %mul3A_223 = arith.mulf %sub3A, %sub3A : vector<16xf32>
      %add3A_224 = arith.addf %scan3A_204, %mul3A_223 : vector<16xf32>
      %mul3A_225 = arith.constant 8 : i32
      %mul3A_226 = arith.muli %scan3A_203, %mul3A_225 : i32
      %add3A_227 = arith.constant 1 : i32
      %add3A_228 = arith.addi %mul3A_226, %add3A_227 : i32
      %mul3A_229 = arith.constant 16 : i32
      %mul3A_230 = arith.muli %add3A_228, %mul3A_229 : i32
      %add3A_231 = arith.constant 0 : i32
      %add3A_232 = arith.addi %add3A_231, %mul3A_230 : i32
      %get3A_233 = arith.index_cast %add3A_232 : i32 to index
      %get3A_234 = tpu.vector_load %arg7[%get3A_233] {strides = array<i32>} : memref<16384xi32, #tpu.memory_space<vmem>>, vector<16xi32>,
      %gather3A_235 = tpu.vector_load_idx %arg6[%get3A_234] : memref<100000xf32, #tpu.memory_space<vmem>>[vector<16xi32>], vector<16xf32>,
      %get3A_236 = arith.index_cast %mul3A_230 : i32 to index
      %get3A_237 = tpu.vector_load %arg8[%get3A_236] {strides = array<i32>} : memref<4096xf32, #tpu.memory_space<vmem>>, vector<16xf32>,
      %sub3A_238 = arith.subf %get3A_237, %gather3A_235 : vector<16xf32>
      %mul3A_239 = arith.mulf %sub3A_238, %sub3A_238 : vector<16xf32>
      %add3A_240 = arith.addf %scan3A_205, %mul3A_239 : vector<16xf32>
      %mul3A_241 = arith.constant 8 : i32
      %mul3A_242 = arith.muli %scan3A_203, %mul3A_241 : i32
      %add3A_243 = arith.constant 2 : i32
      %add3A_244 = arith.addi %mul3A_242, %add3A_243 : i32
      %mul3A_245 = arith.constant 16 : i32
      %mul3A_246 = arith.muli %add3A_244, %mul3A_245 : i32
      %add3A_247 = arith.constant 0 : i32
      %add3A_248 = arith.addi %add3A_247, %mul3A_246 : i32
      %get3A_249 = arith.index_cast %add3A_248 : i32 to index
      %get3A_250 = tpu.vector_load %arg7[%get3A_249] {strides = array<i32>} : memref<16384xi32, #tpu.memory_space<vmem>>, vector<16xi32>,
      %gather3A_251 = tpu.vector_load_idx %arg6[%get3A_250] : memref<100000xf32, #tpu.memory_space<vmem>>[vector<16xi32>], vector<16xf32>,
      %get3A_252 = arith.index_cast %mul3A_246 : i32 to index
      %get3A_253 = tpu.vector_load %arg8[%get3A_252] {strides = array<i32>} : memref<4096xf32, #tpu.memory_space<vmem>>, vector<16xf32>,
      %sub3A_254 = arith.subf %get3A_253, %gather3A_251 : vector<16xf32>
      %mul3A_255 = arith.mulf %sub3A_254, %sub3A_254 : vector<16xf32>
      %add3A_256 = arith.addf %scan3A_206, %mul3A_255 : vector<16xf32>
      %mul3A_257 = arith.constant 8 : i32
      %mul3A_258 = arith.muli %scan3A_203, %mul3A_257 : i32
      %add3A_259 = arith.constant 3 : i32
      %add3A_260 = arith.addi %mul3A_258, %add3A_259 : i32
      %mul3A_261 = arith.constant 16 : i32
      %mul3A_262 = arith.muli %add3A_260, %mul3A_261 : i32
      %add3A_263 = arith.constant 0 : i32
      %add3A_264 = arith.addi %add3A_263, %mul3A_262 : i32
      %get3A_265 = arith.index_cast %add3A_264 : i32 to index
      %get3A_266 = tpu.vector_load %arg7[%get3A_265] {strides = array<i32>} : memref<16384xi32, #tpu.memory_space<vmem>>, vector<16xi32>,
      %gather3A_267 = tpu.vector_load_idx %arg6[%get3A_266] : memref<100000xf32, #tpu.memory_space<vmem>>[vector<16xi32>], vector<16xf32>,
      %get3A_268 = arith.index_cast %mul3A_262 : i32 to index
      %get3A_269 = tpu.vector_load %arg8[%get3A_268] {strides = array<i32>} : memref<4096xf32, #tpu.memory_space<vmem>>, vector<16xf32>,
      %sub3A_270 = arith.subf %get3A_269, %gather3A_267 : vector<16xf32>
      %mul3A_271 = arith.mulf %sub3A_270, %sub3A_270 : vector<16xf32>
      %add3A_272 = arith.addf %scan3A_207, %mul3A_271 : vector<16xf32>
      %mul3A_273 = arith.constant 8 : i32
      %mul3A_274 = arith.muli %scan3A_203, %mul3A_273 : i32
      %add3A_275 = arith.constant 4 : i32
      %add3A_276 = arith.addi %mul3A_274, %add3A_275 : i32
      %mul3A_277 = arith.constant 16 : i32
      %mul3A_278 = arith.muli %add3A_276, %mul3A_277 : i32
      %add3A_279 = arith.constant 0 : i32
      %add3A_280 = arith.addi %add3A_279, %mul3A_278 : i32
      %get3A_281 = arith.index_cast %add3A_280 : i32 to index
      %get3A_282 = tpu.vector_load %arg7[%get3A_281] {strides = array<i32>} : memref<16384xi32, #tpu.memory_space<vmem>>, vector<16xi32>,
      %gather3A_283 = tpu.vector_load_idx %arg6[%get3A_282] : memref<100000xf32, #tpu.memory_space<vmem>>[vector<16xi32>], vector<16xf32>,
      %get3A_284 = arith.index_cast %mul3A_278 : i32 to index
      %get3A_285 = tpu.vector_load %arg8[%get3A_284] {strides = array<i32>} : memref<4096xf32, #tpu.memory_space<vmem>>, vector<16xf32>,
      %sub3A_286 = arith.subf %get3A_285, %gather3A_283 : vector<16xf32>
      %mul3A_287 = arith.mulf %sub3A_286, %sub3A_286 : vector<16xf32>
      %add3A_288 = arith.addf %scan3A_208, %mul3A_287 : vector<16xf32>
      %mul3A_289 = arith.constant 8 : i32
      %mul3A_290 = arith.muli %scan3A_203, %mul3A_289 : i32
      %add3A_291 = arith.constant 5 : i32
      %add3A_292 = arith.addi %mul3A_290, %add3A_291 : i32
      %mul3A_293 = arith.constant 16 : i32
      %mul3A_294 = arith.muli %add3A_292, %mul3A_293 : i32
      %add3A_295 = arith.constant 0 : i32
      %add3A_296 = arith.addi %add3A_295, %mul3A_294 : i32
      %get3A_297 = arith.index_cast %add3A_296 : i32 to index
      %get3A_298 = tpu.vector_load %arg7[%get3A_297] {strides = array<i32>} : memref<16384xi32, #tpu.memory_space<vmem>>, vector<16xi32>,
      %gather3A_299 = tpu.vector_load_idx %arg6[%get3A_298] : memref<100000xf32, #tpu.memory_space<vmem>>[vector<16xi32>], vector<16xf32>,
      %get3A_300 = arith.index_cast %mul3A_294 : i32 to index
      %get3A_301 = tpu.vector_load %arg8[%get3A_300] {strides = array<i32>} : memref<4096xf32, #tpu.memory_space<vmem>>, vector<16xf32>,
      %sub3A_302 = arith.subf %get3A_301, %gather3A_299 : vector<16xf32>
      %mul3A_303 = arith.mulf %sub3A_302, %sub3A_302 : vector<16xf32>
      %add3A_304 = arith.addf %scan3A_209, %mul3A_303 : vector<16xf32>
      %mul3A_305 = arith.constant 8 : i32
      %mul3A_306 = arith.muli %scan3A_203, %mul3A_305 : i32
      %add3A_307 = arith.constant 6 : i32
      %add3A_308 = arith.addi %mul3A_306, %add3A_307 : i32
      %mul3A_309 = arith.constant 16 : i32
      %mul3A_310 = arith.muli %add3A_308, %mul3A_309 : i32
      %add3A_311 = arith.constant 0 : i32
      %add3A_312 = arith.addi %add3A_311, %mul3A_310 : i32
      %get3A_313 = arith.index_cast %add3A_312 : i32 to index
      %get3A_314 = tpu.vector_load %arg7[%get3A_313] {strides = array<i32>} : memref<16384xi32, #tpu.memory_space<vmem>>, vector<16xi32>,
      %gather3A_315 = tpu.vector_load_idx %arg6[%get3A_314] : memref<100000xf32, #tpu.memory_space<vmem>>[vector<16xi32>], vector<16xf32>,
      %get3A_316 = arith.index_cast %mul3A_310 : i32 to index
      %get3A_317 = tpu.vector_load %arg8[%get3A_316] {strides = array<i32>} : memref<4096xf32, #tpu.memory_space<vmem>>, vector<16xf32>,
      %sub3A_318 = arith.subf %get3A_317, %gather3A_315 : vector<16xf32>
      %mul3A_319 = arith.mulf %sub3A_318, %sub3A_318 : vector<16xf32>
      %add3A_320 = arith.addf %scan3A_210, %mul3A_319 : vector<16xf32>
      %mul3A_321 = arith.constant 8 : i32
      %mul3A_322 = arith.muli %scan3A_203, %mul3A_321 : i32
      %add3A_323 = arith.constant 7 : i32
      %add3A_324 = arith.addi %mul3A_322, %add3A_323 : i32
      %mul3A_325 = arith.constant 16 : i32
      %mul3A_326 = arith.muli %add3A_324, %mul3A_325 : i32
      %add3A_327 = arith.constant 0 : i32
      %add3A_328 = arith.addi %add3A_327, %mul3A_326 : i32
      %get3A_329 = arith.index_cast %add3A_328 : i32 to index
      %get3A_330 = tpu.vector_load %arg7[%get3A_329] {strides = array<i32>} : memref<16384xi32, #tpu.memory_space<vmem>>, vector<16xi32>,
      %gather3A_331 = tpu.vector_load_idx %arg6[%get3A_330] : memref<100000xf32, #tpu.memory_space<vmem>>[vector<16xi32>], vector<16xf32>,
      %get3A_332 = arith.index_cast %mul3A_326 : i32 to index
      %get3A_333 = tpu.vector_load %arg8[%get3A_332] {strides = array<i32>} : memref<4096xf32, #tpu.memory_space<vmem>>, vector<16xf32>,
      %sub3A_334 = arith.subf %get3A_333, %gather3A_331 : vector<16xf32>
      %mul3A_335 = arith.mulf %sub3A_334, %sub3A_334 : vector<16xf32>
      %add3A_336 = arith.addf %scan3A_211, %mul3A_335 : vector<16xf32>
      scf.yield %add3A_224, %add3A_240, %add3A_256, %add3A_272, %add3A_288, %add3A_304, %add3A_320, %add3A_336 : vector<16xf32>, vector<16xf32>, vector<16xf32>, vector<16xf32>, vector<16xf32>, vector<16xf32>, vector<16xf32>, vector<16xf32>
    }
    %scan3A_52 = arith.constant 32 : i32
    %dma_wait3A_53 = arith.constant 4096 : i32
    %dma_wait3A_54 = tpu.memref_slice %arg2[%add3A_30, %dma_wait3A_53] : memref<64x16384xf32, #tpu.memory_space<hbm>> -> memref<1x4096xf32, #tpu.memory_space<hbm>>
    %dma_wait3A_55 = tpu.memref_squeeze %dma_wait3A_54 : memref<1x4096xf32, #tpu.memory_space<hbm>> -> memref<4096xf32, #tpu.memory_space<hbm>>
    %dma_wait3A_56 = arith.constant 4096 : i32
    %dma_wait3A_57 = tpu.memref_slice %arg2[%add3A_30, %dma_wait3A_56] : memref<64x16384xf32, #tpu.memory_space<hbm>> -> memref<1x4096xf32, #tpu.memory_space<hbm>>
    %dma_wait3A_58 = tpu.memref_squeeze %dma_wait3A_57 : memref<1x4096xf32, #tpu.memory_space<hbm>> -> memref<4096xf32, #tpu.memory_space<hbm>>
    tpu.wait_dma2 semaphore(%arg13 : memref<!tpu.dma_semaphore, #tpu.memory_space<semaphore_mem>>) src(%dma_wait3A_58 : memref<4096xf32, #tpu.memory_space<hbm>>) dst(%arg9 : memref<4096xf32, #tpu.memory_space<vmem>>)
    %dma_start3A_59 = arith.constant 8192 : i32
    %dma_start3A_60 = tpu.memref_slice %arg2[%add3A_30, %dma_start3A_59] : memref<64x16384xf32, #tpu.memory_space<hbm>> -> memref<1x4096xf32, #tpu.memory_space<hbm>>
    %dma_start3A_61 = tpu.memref_squeeze %dma_start3A_60 : memref<1x4096xf32, #tpu.memory_space<hbm>> -> memref<4096xf32, #tpu.memory_space<hbm>>
    %dma_start3A_62 = arith.constant 8192 : i32
    %dma_start3A_63 = tpu.memref_slice %arg2[%add3A_30, %dma_start3A_62] : memref<64x16384xf32, #tpu.memory_space<hbm>> -> memref<1x4096xf32, #tpu.memory_space<hbm>>
    %dma_start3A_64 = tpu.memref_squeeze %dma_start3A_63 : memref<1x4096xf32, #tpu.memory_space<hbm>> -> memref<4096xf32, #tpu.memory_space<hbm>>
    tpu.enqueue_dma source(%dma_start3A_64 : memref<4096xf32, #tpu.memory_space<hbm>>) target(%arg8 : memref<4096xf32, #tpu.memory_space<vmem>>) target_semaphore(%arg12 : memref<!tpu.dma_semaphore, #tpu.memory_space<semaphore_mem>>)
    %scan3A_65 = arith.constant 0 : i32
    %scan3A_66 = arith.constant 32 : i32
    %scan3A_67 = arith.addi %scan3A_65, %scan3A_66 : i32
    %scan3A_68 = arith.constant 1 : i32
    %scan3A_69:8 = scf.for %scan3A_203 = %scan3A_65 to %scan3A_67 step %scan3A_68 iter_args(%scan3A_204 = %scan3A_51#0, %scan3A_205 = %scan3A_51#1, %scan3A_206 = %scan3A_51#2, %scan3A_207 = %scan3A_51#3, %scan3A_208 = %scan3A_51#4, %scan3A_209 = %scan3A_51#5, %scan3A_210 = %scan3A_51#6, %scan3A_211 = %scan3A_51#7) -> (vector<16xf32>, vector<16xf32>, vector<16xf32>, vector<16xf32>, vector<16xf32>, vector<16xf32>, vector<16xf32>, vector<16xf32>)  : i32 {
      %mul3A_212 = arith.constant 8 : i32
      %mul3A_213 = arith.muli %scan3A_203, %mul3A_212 : i32
      %add3A_214 = arith.constant 0 : i32
      %add3A_215 = arith.addi %mul3A_213, %add3A_214 : i32
      %mul3A_216 = arith.constant 16 : i32
      %mul3A_217 = arith.muli %add3A_215, %mul3A_216 : i32
      %add3A_218 = arith.constant 4096 : i32
      %add3A_219 = arith.addi %add3A_218, %mul3A_217 : i32
      %get3A = arith.index_cast %add3A_219 : i32 to index
      %get3A_220 = tpu.vector_load %arg7[%get3A] {strides = array<i32>} : memref<16384xi32, #tpu.memory_space<vmem>>, vector<16xi32>,
      %gather3A = tpu.vector_load_idx %arg6[%get3A_220] : memref<100000xf32, #tpu.memory_space<vmem>>[vector<16xi32>], vector<16xf32>,
      %get3A_221 = arith.index_cast %mul3A_217 : i32 to index
      %get3A_222 = tpu.vector_load %arg9[%get3A_221] {strides = array<i32>} : memref<4096xf32, #tpu.memory_space<vmem>>, vector<16xf32>,
      %sub3A = arith.subf %get3A_222, %gather3A : vector<16xf32>
      %mul3A_223 = arith.mulf %sub3A, %sub3A : vector<16xf32>
      %add3A_224 = arith.addf %scan3A_204, %mul3A_223 : vector<16xf32>
      %mul3A_225 = arith.constant 8 : i32
      %mul3A_226 = arith.muli %scan3A_203, %mul3A_225 : i32
      %add3A_227 = arith.constant 1 : i32
      %add3A_228 = arith.addi %mul3A_226, %add3A_227 : i32
      %mul3A_229 = arith.constant 16 : i32
      %mul3A_230 = arith.muli %add3A_228, %mul3A_229 : i32
      %add3A_231 = arith.constant 4096 : i32
      %add3A_232 = arith.addi %add3A_231, %mul3A_230 : i32
      %get3A_233 = arith.index_cast %add3A_232 : i32 to index
      %get3A_234 = tpu.vector_load %arg7[%get3A_233] {strides = array<i32>} : memref<16384xi32, #tpu.memory_space<vmem>>, vector<16xi32>,
      %gather3A_235 = tpu.vector_load_idx %arg6[%get3A_234] : memref<100000xf32, #tpu.memory_space<vmem>>[vector<16xi32>], vector<16xf32>,
      %get3A_236 = arith.index_cast %mul3A_230 : i32 to index
      %get3A_237 = tpu.vector_load %arg9[%get3A_236] {strides = array<i32>} : memref<4096xf32, #tpu.memory_space<vmem>>, vector<16xf32>,
      %sub3A_238 = arith.subf %get3A_237, %gather3A_235 : vector<16xf32>
      %mul3A_239 = arith.mulf %sub3A_238, %sub3A_238 : vector<16xf32>
      %add3A_240 = arith.addf %scan3A_205, %mul3A_239 : vector<16xf32>
      %mul3A_241 = arith.constant 8 : i32
      %mul3A_242 = arith.muli %scan3A_203, %mul3A_241 : i32
      %add3A_243 = arith.constant 2 : i32
      %add3A_244 = arith.addi %mul3A_242, %add3A_243 : i32
      %mul3A_245 = arith.constant 16 : i32
      %mul3A_246 = arith.muli %add3A_244, %mul3A_245 : i32
      %add3A_247 = arith.constant 4096 : i32
      %add3A_248 = arith.addi %add3A_247, %mul3A_246 : i32
      %get3A_249 = arith.index_cast %add3A_248 : i32 to index
      %get3A_250 = tpu.vector_load %arg7[%get3A_249] {strides = array<i32>} : memref<16384xi32, #tpu.memory_space<vmem>>, vector<16xi32>,
      %gather3A_251 = tpu.vector_load_idx %arg6[%get3A_250] : memref<100000xf32, #tpu.memory_space<vmem>>[vector<16xi32>], vector<16xf32>,
      %get3A_252 = arith.index_cast %mul3A_246 : i32 to index
      %get3A_253 = tpu.vector_load %arg9[%get3A_252] {strides = array<i32>} : memref<4096xf32, #tpu.memory_space<vmem>>, vector<16xf32>,
      %sub3A_254 = arith.subf %get3A_253, %gather3A_251 : vector<16xf32>
      %mul3A_255 = arith.mulf %sub3A_254, %sub3A_254 : vector<16xf32>
      %add3A_256 = arith.addf %scan3A_206, %mul3A_255 : vector<16xf32>
      %mul3A_257 = arith.constant 8 : i32
      %mul3A_258 = arith.muli %scan3A_203, %mul3A_257 : i32
      %add3A_259 = arith.constant 3 : i32
      %add3A_260 = arith.addi %mul3A_258, %add3A_259 : i32
      %mul3A_261 = arith.constant 16 : i32
      %mul3A_262 = arith.muli %add3A_260, %mul3A_261 : i32
      %add3A_263 = arith.constant 4096 : i32
      %add3A_264 = arith.addi %add3A_263, %mul3A_262 : i32
      %get3A_265 = arith.index_cast %add3A_264 : i32 to index
      %get3A_266 = tpu.vector_load %arg7[%get3A_265] {strides = array<i32>} : memref<16384xi32, #tpu.memory_space<vmem>>, vector<16xi32>,
      %gather3A_267 = tpu.vector_load_idx %arg6[%get3A_266] : memref<100000xf32, #tpu.memory_space<vmem>>[vector<16xi32>], vector<16xf32>,
      %get3A_268 = arith.index_cast %mul3A_262 : i32 to index
      %get3A_269 = tpu.vector_load %arg9[%get3A_268] {strides = array<i32>} : memref<4096xf32, #tpu.memory_space<vmem>>, vector<16xf32>,
      %sub3A_270 = arith.subf %get3A_269, %gather3A_267 : vector<16xf32>
      %mul3A_271 = arith.mulf %sub3A_270, %sub3A_270 : vector<16xf32>
      %add3A_272 = arith.addf %scan3A_207, %mul3A_271 : vector<16xf32>
      %mul3A_273 = arith.constant 8 : i32
      %mul3A_274 = arith.muli %scan3A_203, %mul3A_273 : i32
      %add3A_275 = arith.constant 4 : i32
      %add3A_276 = arith.addi %mul3A_274, %add3A_275 : i32
      %mul3A_277 = arith.constant 16 : i32
      %mul3A_278 = arith.muli %add3A_276, %mul3A_277 : i32
      %add3A_279 = arith.constant 4096 : i32
      %add3A_280 = arith.addi %add3A_279, %mul3A_278 : i32
      %get3A_281 = arith.index_cast %add3A_280 : i32 to index
      %get3A_282 = tpu.vector_load %arg7[%get3A_281] {strides = array<i32>} : memref<16384xi32, #tpu.memory_space<vmem>>, vector<16xi32>,
      %gather3A_283 = tpu.vector_load_idx %arg6[%get3A_282] : memref<100000xf32, #tpu.memory_space<vmem>>[vector<16xi32>], vector<16xf32>,
      %get3A_284 = arith.index_cast %mul3A_278 : i32 to index
      %get3A_285 = tpu.vector_load %arg9[%get3A_284] {strides = array<i32>} : memref<4096xf32, #tpu.memory_space<vmem>>, vector<16xf32>,
      %sub3A_286 = arith.subf %get3A_285, %gather3A_283 : vector<16xf32>
      %mul3A_287 = arith.mulf %sub3A_286, %sub3A_286 : vector<16xf32>
      %add3A_288 = arith.addf %scan3A_208, %mul3A_287 : vector<16xf32>
      %mul3A_289 = arith.constant 8 : i32
      %mul3A_290 = arith.muli %scan3A_203, %mul3A_289 : i32
      %add3A_291 = arith.constant 5 : i32
      %add3A_292 = arith.addi %mul3A_290, %add3A_291 : i32
      %mul3A_293 = arith.constant 16 : i32
      %mul3A_294 = arith.muli %add3A_292, %mul3A_293 : i32
      %add3A_295 = arith.constant 4096 : i32
      %add3A_296 = arith.addi %add3A_295, %mul3A_294 : i32
      %get3A_297 = arith.index_cast %add3A_296 : i32 to index
      %get3A_298 = tpu.vector_load %arg7[%get3A_297] {strides = array<i32>} : memref<16384xi32, #tpu.memory_space<vmem>>, vector<16xi32>,
      %gather3A_299 = tpu.vector_load_idx %arg6[%get3A_298] : memref<100000xf32, #tpu.memory_space<vmem>>[vector<16xi32>], vector<16xf32>,
      %get3A_300 = arith.index_cast %mul3A_294 : i32 to index
      %get3A_301 = tpu.vector_load %arg9[%get3A_300] {strides = array<i32>} : memref<4096xf32, #tpu.memory_space<vmem>>, vector<16xf32>,
      %sub3A_302 = arith.subf %get3A_301, %gather3A_299 : vector<16xf32>
      %mul3A_303 = arith.mulf %sub3A_302, %sub3A_302 : vector<16xf32>
      %add3A_304 = arith.addf %scan3A_209, %mul3A_303 : vector<16xf32>
      %mul3A_305 = arith.constant 8 : i32
      %mul3A_306 = arith.muli %scan3A_203, %mul3A_305 : i32
      %add3A_307 = arith.constant 6 : i32
      %add3A_308 = arith.addi %mul3A_306, %add3A_307 : i32
      %mul3A_309 = arith.constant 16 : i32
      %mul3A_310 = arith.muli %add3A_308, %mul3A_309 : i32
      %add3A_311 = arith.constant 4096 : i32
      %add3A_312 = arith.addi %add3A_311, %mul3A_310 : i32
      %get3A_313 = arith.index_cast %add3A_312 : i32 to index
      %get3A_314 = tpu.vector_load %arg7[%get3A_313] {strides = array<i32>} : memref<16384xi32, #tpu.memory_space<vmem>>, vector<16xi32>,
      %gather3A_315 = tpu.vector_load_idx %arg6[%get3A_314] : memref<100000xf32, #tpu.memory_space<vmem>>[vector<16xi32>], vector<16xf32>,
      %get3A_316 = arith.index_cast %mul3A_310 : i32 to index
      %get3A_317 = tpu.vector_load %arg9[%get3A_316] {strides = array<i32>} : memref<4096xf32, #tpu.memory_space<vmem>>, vector<16xf32>,
      %sub3A_318 = arith.subf %get3A_317, %gather3A_315 : vector<16xf32>
      %mul3A_319 = arith.mulf %sub3A_318, %sub3A_318 : vector<16xf32>
      %add3A_320 = arith.addf %scan3A_210, %mul3A_319 : vector<16xf32>
      %mul3A_321 = arith.constant 8 : i32
      %mul3A_322 = arith.muli %scan3A_203, %mul3A_321 : i32
      %add3A_323 = arith.constant 7 : i32
      %add3A_324 = arith.addi %mul3A_322, %add3A_323 : i32
      %mul3A_325 = arith.constant 16 : i32
      %mul3A_326 = arith.muli %add3A_324, %mul3A_325 : i32
      %add3A_327 = arith.constant 4096 : i32
      %add3A_328 = arith.addi %add3A_327, %mul3A_326 : i32
      %get3A_329 = arith.index_cast %add3A_328 : i32 to index
      %get3A_330 = tpu.vector_load %arg7[%get3A_329] {strides = array<i32>} : memref<16384xi32, #tpu.memory_space<vmem>>, vector<16xi32>,
      %gather3A_331 = tpu.vector_load_idx %arg6[%get3A_330] : memref<100000xf32, #tpu.memory_space<vmem>>[vector<16xi32>], vector<16xf32>,
      %get3A_332 = arith.index_cast %mul3A_326 : i32 to index
      %get3A_333 = tpu.vector_load %arg9[%get3A_332] {strides = array<i32>} : memref<4096xf32, #tpu.memory_space<vmem>>, vector<16xf32>,
      %sub3A_334 = arith.subf %get3A_333, %gather3A_331 : vector<16xf32>
      %mul3A_335 = arith.mulf %sub3A_334, %sub3A_334 : vector<16xf32>
      %add3A_336 = arith.addf %scan3A_211, %mul3A_335 : vector<16xf32>
      scf.yield %add3A_224, %add3A_240, %add3A_256, %add3A_272, %add3A_288, %add3A_304, %add3A_320, %add3A_336 : vector<16xf32>, vector<16xf32>, vector<16xf32>, vector<16xf32>, vector<16xf32>, vector<16xf32>, vector<16xf32>, vector<16xf32>
    }
    %scan3A_70 = arith.constant 32 : i32
    %dma_wait3A_71 = arith.constant 8192 : i32
    %dma_wait3A_72 = tpu.memref_slice %arg2[%add3A_30, %dma_wait3A_71] : memref<64x16384xf32, #tpu.memory_space<hbm>> -> memref<1x4096xf32, #tpu.memory_space<hbm>>
    %dma_wait3A_73 = tpu.memref_squeeze %dma_wait3A_72 : memref<1x4096xf32, #tpu.memory_space<hbm>> -> memref<4096xf32, #tpu.memory_space<hbm>>
    %dma_wait3A_74 = arith.constant 8192 : i32
    %dma_wait3A_75 = tpu.memref_slice %arg2[%add3A_30, %dma_wait3A_74] : memref<64x16384xf32, #tpu.memory_space<hbm>> -> memref<1x4096xf32, #tpu.memory_space<hbm>>
    %dma_wait3A_76 = tpu.memref_squeeze %dma_wait3A_75 : memref<1x4096xf32, #tpu.memory_space<hbm>> -> memref<4096xf32, #tpu.memory_space<hbm>>
    tpu.wait_dma2 semaphore(%arg12 : memref<!tpu.dma_semaphore, #tpu.memory_space<semaphore_mem>>) src(%dma_wait3A_76 : memref<4096xf32, #tpu.memory_space<hbm>>) dst(%arg8 : memref<4096xf32, #tpu.memory_space<vmem>>)
    %dma_start3A_77 = arith.constant 12288 : i32
    %dma_start3A_78 = tpu.memref_slice %arg2[%add3A_30, %dma_start3A_77] : memref<64x16384xf32, #tpu.memory_space<hbm>> -> memref<1x4096xf32, #tpu.memory_space<hbm>>
    %dma_start3A_79 = tpu.memref_squeeze %dma_start3A_78 : memref<1x4096xf32, #tpu.memory_space<hbm>> -> memref<4096xf32, #tpu.memory_space<hbm>>
    %dma_start3A_80 = arith.constant 12288 : i32
    %dma_start3A_81 = tpu.memref_slice %arg2[%add3A_30, %dma_start3A_80] : memref<64x16384xf32, #tpu.memory_space<hbm>> -> memref<1x4096xf32, #tpu.memory_space<hbm>>
    %dma_start3A_82 = tpu.memref_squeeze %dma_start3A_81 : memref<1x4096xf32, #tpu.memory_space<hbm>> -> memref<4096xf32, #tpu.memory_space<hbm>>
    tpu.enqueue_dma source(%dma_start3A_82 : memref<4096xf32, #tpu.memory_space<hbm>>) target(%arg9 : memref<4096xf32, #tpu.memory_space<vmem>>) target_semaphore(%arg13 : memref<!tpu.dma_semaphore, #tpu.memory_space<semaphore_mem>>)
    %scan3A_83 = arith.constant 0 : i32
    %scan3A_84 = arith.constant 32 : i32
    %scan3A_85 = arith.addi %scan3A_83, %scan3A_84 : i32
    %scan3A_86 = arith.constant 1 : i32
    %scan3A_87:8 = scf.for %scan3A_203 = %scan3A_83 to %scan3A_85 step %scan3A_86 iter_args(%scan3A_204 = %scan3A_69#0, %scan3A_205 = %scan3A_69#1, %scan3A_206 = %scan3A_69#2, %scan3A_207 = %scan3A_69#3, %scan3A_208 = %scan3A_69#4, %scan3A_209 = %scan3A_69#5, %scan3A_210 = %scan3A_69#6, %scan3A_211 = %scan3A_69#7) -> (vector<16xf32>, vector<16xf32>, vector<16xf32>, vector<16xf32>, vector<16xf32>, vector<16xf32>, vector<16xf32>, vector<16xf32>)  : i32 {
      %mul3A_212 = arith.constant 8 : i32
      %mul3A_213 = arith.muli %scan3A_203, %mul3A_212 : i32
      %add3A_214 = arith.constant 0 : i32
      %add3A_215 = arith.addi %mul3A_213, %add3A_214 : i32
      %mul3A_216 = arith.constant 16 : i32
      %mul3A_217 = arith.muli %add3A_215, %mul3A_216 : i32
      %add3A_218 = arith.constant 8192 : i32
      %add3A_219 = arith.addi %add3A_218, %mul3A_217 : i32
      %get3A = arith.index_cast %add3A_219 : i32 to index
      %get3A_220 = tpu.vector_load %arg7[%get3A] {strides = array<i32>} : memref<16384xi32, #tpu.memory_space<vmem>>, vector<16xi32>,
      %gather3A = tpu.vector_load_idx %arg6[%get3A_220] : memref<100000xf32, #tpu.memory_space<vmem>>[vector<16xi32>], vector<16xf32>,
      %get3A_221 = arith.index_cast %mul3A_217 : i32 to index
      %get3A_222 = tpu.vector_load %arg8[%get3A_221] {strides = array<i32>} : memref<4096xf32, #tpu.memory_space<vmem>>, vector<16xf32>,
      %sub3A = arith.subf %get3A_222, %gather3A : vector<16xf32>
      %mul3A_223 = arith.mulf %sub3A, %sub3A : vector<16xf32>
      %add3A_224 = arith.addf %scan3A_204, %mul3A_223 : vector<16xf32>
      %mul3A_225 = arith.constant 8 : i32
      %mul3A_226 = arith.muli %scan3A_203, %mul3A_225 : i32
      %add3A_227 = arith.constant 1 : i32
      %add3A_228 = arith.addi %mul3A_226, %add3A_227 : i32
      %mul3A_229 = arith.constant 16 : i32
      %mul3A_230 = arith.muli %add3A_228, %mul3A_229 : i32
      %add3A_231 = arith.constant 8192 : i32
      %add3A_232 = arith.addi %add3A_231, %mul3A_230 : i32
      %get3A_233 = arith.index_cast %add3A_232 : i32 to index
      %get3A_234 = tpu.vector_load %arg7[%get3A_233] {strides = array<i32>} : memref<16384xi32, #tpu.memory_space<vmem>>, vector<16xi32>,
      %gather3A_235 = tpu.vector_load_idx %arg6[%get3A_234] : memref<100000xf32, #tpu.memory_space<vmem>>[vector<16xi32>], vector<16xf32>,
      %get3A_236 = arith.index_cast %mul3A_230 : i32 to index
      %get3A_237 = tpu.vector_load %arg8[%get3A_236] {strides = array<i32>} : memref<4096xf32, #tpu.memory_space<vmem>>, vector<16xf32>,
      %sub3A_238 = arith.subf %get3A_237, %gather3A_235 : vector<16xf32>
      %mul3A_239 = arith.mulf %sub3A_238, %sub3A_238 : vector<16xf32>
      %add3A_240 = arith.addf %scan3A_205, %mul3A_239 : vector<16xf32>
      %mul3A_241 = arith.constant 8 : i32
      %mul3A_242 = arith.muli %scan3A_203, %mul3A_241 : i32
      %add3A_243 = arith.constant 2 : i32
      %add3A_244 = arith.addi %mul3A_242, %add3A_243 : i32
      %mul3A_245 = arith.constant 16 : i32
      %mul3A_246 = arith.muli %add3A_244, %mul3A_245 : i32
      %add3A_247 = arith.constant 8192 : i32
      %add3A_248 = arith.addi %add3A_247, %mul3A_246 : i32
      %get3A_249 = arith.index_cast %add3A_248 : i32 to index
      %get3A_250 = tpu.vector_load %arg7[%get3A_249] {strides = array<i32>} : memref<16384xi32, #tpu.memory_space<vmem>>, vector<16xi32>,
      %gather3A_251 = tpu.vector_load_idx %arg6[%get3A_250] : memref<100000xf32, #tpu.memory_space<vmem>>[vector<16xi32>], vector<16xf32>,
      %get3A_252 = arith.index_cast %mul3A_246 : i32 to index
      %get3A_253 = tpu.vector_load %arg8[%get3A_252] {strides = array<i32>} : memref<4096xf32, #tpu.memory_space<vmem>>, vector<16xf32>,
      %sub3A_254 = arith.subf %get3A_253, %gather3A_251 : vector<16xf32>
      %mul3A_255 = arith.mulf %sub3A_254, %sub3A_254 : vector<16xf32>
      %add3A_256 = arith.addf %scan3A_206, %mul3A_255 : vector<16xf32>
      %mul3A_257 = arith.constant 8 : i32
      %mul3A_258 = arith.muli %scan3A_203, %mul3A_257 : i32
      %add3A_259 = arith.constant 3 : i32
      %add3A_260 = arith.addi %mul3A_258, %add3A_259 : i32
      %mul3A_261 = arith.constant 16 : i32
      %mul3A_262 = arith.muli %add3A_260, %mul3A_261 : i32
      %add3A_263 = arith.constant 8192 : i32
      %add3A_264 = arith.addi %add3A_263, %mul3A_262 : i32
      %get3A_265 = arith.index_cast %add3A_264 : i32 to index
      %get3A_266 = tpu.vector_load %arg7[%get3A_265] {strides = array<i32>} : memref<16384xi32, #tpu.memory_space<vmem>>, vector<16xi32>,
      %gather3A_267 = tpu.vector_load_idx %arg6[%get3A_266] : memref<100000xf32, #tpu.memory_space<vmem>>[vector<16xi32>], vector<16xf32>,
      %get3A_268 = arith.index_cast %mul3A_262 : i32 to index
      %get3A_269 = tpu.vector_load %arg8[%get3A_268] {strides = array<i32>} : memref<4096xf32, #tpu.memory_space<vmem>>, vector<16xf32>,
      %sub3A_270 = arith.subf %get3A_269, %gather3A_267 : vector<16xf32>
      %mul3A_271 = arith.mulf %sub3A_270, %sub3A_270 : vector<16xf32>
      %add3A_272 = arith.addf %scan3A_207, %mul3A_271 : vector<16xf32>
      %mul3A_273 = arith.constant 8 : i32
      %mul3A_274 = arith.muli %scan3A_203, %mul3A_273 : i32
      %add3A_275 = arith.constant 4 : i32
      %add3A_276 = arith.addi %mul3A_274, %add3A_275 : i32
      %mul3A_277 = arith.constant 16 : i32
      %mul3A_278 = arith.muli %add3A_276, %mul3A_277 : i32
      %add3A_279 = arith.constant 8192 : i32
      %add3A_280 = arith.addi %add3A_279, %mul3A_278 : i32
      %get3A_281 = arith.index_cast %add3A_280 : i32 to index
      %get3A_282 = tpu.vector_load %arg7[%get3A_281] {strides = array<i32>} : memref<16384xi32, #tpu.memory_space<vmem>>, vector<16xi32>,
      %gather3A_283 = tpu.vector_load_idx %arg6[%get3A_282] : memref<100000xf32, #tpu.memory_space<vmem>>[vector<16xi32>], vector<16xf32>,
      %get3A_284 = arith.index_cast %mul3A_278 : i32 to index
      %get3A_285 = tpu.vector_load %arg8[%get3A_284] {strides = array<i32>} : memref<4096xf32, #tpu.memory_space<vmem>>, vector<16xf32>,
      %sub3A_286 = arith.subf %get3A_285, %gather3A_283 : vector<16xf32>
      %mul3A_287 = arith.mulf %sub3A_286, %sub3A_286 : vector<16xf32>
      %add3A_288 = arith.addf %scan3A_208, %mul3A_287 : vector<16xf32>
      %mul3A_289 = arith.constant 8 : i32
      %mul3A_290 = arith.muli %scan3A_203, %mul3A_289 : i32
      %add3A_291 = arith.constant 5 : i32
      %add3A_292 = arith.addi %mul3A_290, %add3A_291 : i32
      %mul3A_293 = arith.constant 16 : i32
      %mul3A_294 = arith.muli %add3A_292, %mul3A_293 : i32
      %add3A_295 = arith.constant 8192 : i32
      %add3A_296 = arith.addi %add3A_295, %mul3A_294 : i32
      %get3A_297 = arith.index_cast %add3A_296 : i32 to index
      %get3A_298 = tpu.vector_load %arg7[%get3A_297] {strides = array<i32>} : memref<16384xi32, #tpu.memory_space<vmem>>, vector<16xi32>,
      %gather3A_299 = tpu.vector_load_idx %arg6[%get3A_298] : memref<100000xf32, #tpu.memory_space<vmem>>[vector<16xi32>], vector<16xf32>,
      %get3A_300 = arith.index_cast %mul3A_294 : i32 to index
      %get3A_301 = tpu.vector_load %arg8[%get3A_300] {strides = array<i32>} : memref<4096xf32, #tpu.memory_space<vmem>>, vector<16xf32>,
      %sub3A_302 = arith.subf %get3A_301, %gather3A_299 : vector<16xf32>
      %mul3A_303 = arith.mulf %sub3A_302, %sub3A_302 : vector<16xf32>
      %add3A_304 = arith.addf %scan3A_209, %mul3A_303 : vector<16xf32>
      %mul3A_305 = arith.constant 8 : i32
      %mul3A_306 = arith.muli %scan3A_203, %mul3A_305 : i32
      %add3A_307 = arith.constant 6 : i32
      %add3A_308 = arith.addi %mul3A_306, %add3A_307 : i32
      %mul3A_309 = arith.constant 16 : i32
      %mul3A_310 = arith.muli %add3A_308, %mul3A_309 : i32
      %add3A_311 = arith.constant 8192 : i32
      %add3A_312 = arith.addi %add3A_311, %mul3A_310 : i32
      %get3A_313 = arith.index_cast %add3A_312 : i32 to index
      %get3A_314 = tpu.vector_load %arg7[%get3A_313] {strides = array<i32>} : memref<16384xi32, #tpu.memory_space<vmem>>, vector<16xi32>,
      %gather3A_315 = tpu.vector_load_idx %arg6[%get3A_314] : memref<100000xf32, #tpu.memory_space<vmem>>[vector<16xi32>], vector<16xf32>,
      %get3A_316 = arith.index_cast %mul3A_310 : i32 to index
      %get3A_317 = tpu.vector_load %arg8[%get3A_316] {strides = array<i32>} : memref<4096xf32, #tpu.memory_space<vmem>>, vector<16xf32>,
      %sub3A_318 = arith.subf %get3A_317, %gather3A_315 : vector<16xf32>
      %mul3A_319 = arith.mulf %sub3A_318, %sub3A_318 : vector<16xf32>
      %add3A_320 = arith.addf %scan3A_210, %mul3A_319 : vector<16xf32>
      %mul3A_321 = arith.constant 8 : i32
      %mul3A_322 = arith.muli %scan3A_203, %mul3A_321 : i32
      %add3A_323 = arith.constant 7 : i32
      %add3A_324 = arith.addi %mul3A_322, %add3A_323 : i32
      %mul3A_325 = arith.constant 16 : i32
      %mul3A_326 = arith.muli %add3A_324, %mul3A_325 : i32
      %add3A_327 = arith.constant 8192 : i32
      %add3A_328 = arith.addi %add3A_327, %mul3A_326 : i32
      %get3A_329 = arith.index_cast %add3A_328 : i32 to index
      %get3A_330 = tpu.vector_load %arg7[%get3A_329] {strides = array<i32>} : memref<16384xi32, #tpu.memory_space<vmem>>, vector<16xi32>,
      %gather3A_331 = tpu.vector_load_idx %arg6[%get3A_330] : memref<100000xf32, #tpu.memory_space<vmem>>[vector<16xi32>], vector<16xf32>,
      %get3A_332 = arith.index_cast %mul3A_326 : i32 to index
      %get3A_333 = tpu.vector_load %arg8[%get3A_332] {strides = array<i32>} : memref<4096xf32, #tpu.memory_space<vmem>>, vector<16xf32>,
      %sub3A_334 = arith.subf %get3A_333, %gather3A_331 : vector<16xf32>
      %mul3A_335 = arith.mulf %sub3A_334, %sub3A_334 : vector<16xf32>
      %add3A_336 = arith.addf %scan3A_211, %mul3A_335 : vector<16xf32>
      scf.yield %add3A_224, %add3A_240, %add3A_256, %add3A_272, %add3A_288, %add3A_304, %add3A_320, %add3A_336 : vector<16xf32>, vector<16xf32>, vector<16xf32>, vector<16xf32>, vector<16xf32>, vector<16xf32>, vector<16xf32>, vector<16xf32>
    }
    %scan3A_88 = arith.constant 32 : i32
    %dma_wait3A_89 = arith.constant 12288 : i32
    %dma_wait3A_90 = tpu.memref_slice %arg2[%add3A_30, %dma_wait3A_89] : memref<64x16384xf32, #tpu.memory_space<hbm>> -> memref<1x4096xf32, #tpu.memory_space<hbm>>
    %dma_wait3A_91 = tpu.memref_squeeze %dma_wait3A_90 : memref<1x4096xf32, #tpu.memory_space<hbm>> -> memref<4096xf32, #tpu.memory_space<hbm>>
    %dma_wait3A_92 = arith.constant 12288 : i32
    %dma_wait3A_93 = tpu.memref_slice %arg2[%add3A_30, %dma_wait3A_92] : memref<64x16384xf32, #tpu.memory_space<hbm>> -> memref<1x4096xf32, #tpu.memory_space<hbm>>
    %dma_wait3A_94 = tpu.memref_squeeze %dma_wait3A_93 : memref<1x4096xf32, #tpu.memory_space<hbm>> -> memref<4096xf32, #tpu.memory_space<hbm>>
    tpu.wait_dma2 semaphore(%arg13 : memref<!tpu.dma_semaphore, #tpu.memory_space<semaphore_mem>>) src(%dma_wait3A_94 : memref<4096xf32, #tpu.memory_space<hbm>>) dst(%arg9 : memref<4096xf32, #tpu.memory_space<vmem>>)
    %scan3A_95 = arith.constant 0 : i32
    %scan3A_96 = arith.constant 32 : i32
    %scan3A_97 = arith.addi %scan3A_95, %scan3A_96 : i32
    %scan3A_98 = arith.constant 1 : i32
    %scan3A_99:8 = scf.for %scan3A_203 = %scan3A_95 to %scan3A_97 step %scan3A_98 iter_args(%scan3A_204 = %scan3A_87#0, %scan3A_205 = %scan3A_87#1, %scan3A_206 = %scan3A_87#2, %scan3A_207 = %scan3A_87#3, %scan3A_208 = %scan3A_87#4, %scan3A_209 = %scan3A_87#5, %scan3A_210 = %scan3A_87#6, %scan3A_211 = %scan3A_87#7) -> (vector<16xf32>, vector<16xf32>, vector<16xf32>, vector<16xf32>, vector<16xf32>, vector<16xf32>, vector<16xf32>, vector<16xf32>)  : i32 {
      %mul3A_212 = arith.constant 8 : i32
      %mul3A_213 = arith.muli %scan3A_203, %mul3A_212 : i32
      %add3A_214 = arith.constant 0 : i32
      %add3A_215 = arith.addi %mul3A_213, %add3A_214 : i32
      %mul3A_216 = arith.constant 16 : i32
      %mul3A_217 = arith.muli %add3A_215, %mul3A_216 : i32
      %add3A_218 = arith.constant 12288 : i32
      %add3A_219 = arith.addi %add3A_218, %mul3A_217 : i32
      %get3A = arith.index_cast %add3A_219 : i32 to index
      %get3A_220 = tpu.vector_load %arg7[%get3A] {strides = array<i32>} : memref<16384xi32, #tpu.memory_space<vmem>>, vector<16xi32>,
      %gather3A = tpu.vector_load_idx %arg6[%get3A_220] : memref<100000xf32, #tpu.memory_space<vmem>>[vector<16xi32>], vector<16xf32>,
      %get3A_221 = arith.index_cast %mul3A_217 : i32 to index
      %get3A_222 = tpu.vector_load %arg9[%get3A_221] {strides = array<i32>} : memref<4096xf32, #tpu.memory_space<vmem>>, vector<16xf32>,
      %sub3A = arith.subf %get3A_222, %gather3A : vector<16xf32>
      %mul3A_223 = arith.mulf %sub3A, %sub3A : vector<16xf32>
      %add3A_224 = arith.addf %scan3A_204, %mul3A_223 : vector<16xf32>
      %mul3A_225 = arith.constant 8 : i32
      %mul3A_226 = arith.muli %scan3A_203, %mul3A_225 : i32
      %add3A_227 = arith.constant 1 : i32
      %add3A_228 = arith.addi %mul3A_226, %add3A_227 : i32
      %mul3A_229 = arith.constant 16 : i32
      %mul3A_230 = arith.muli %add3A_228, %mul3A_229 : i32
      %add3A_231 = arith.constant 12288 : i32
      %add3A_232 = arith.addi %add3A_231, %mul3A_230 : i32
      %get3A_233 = arith.index_cast %add3A_232 : i32 to index
      %get3A_234 = tpu.vector_load %arg7[%get3A_233] {strides = array<i32>} : memref<16384xi32, #tpu.memory_space<vmem>>, vector<16xi32>,
      %gather3A_235 = tpu.vector_load_idx %arg6[%get3A_234] : memref<100000xf32, #tpu.memory_space<vmem>>[vector<16xi32>], vector<16xf32>,
      %get3A_236 = arith.index_cast %mul3A_230 : i32 to index
      %get3A_237 = tpu.vector_load %arg9[%get3A_236] {strides = array<i32>} : memref<4096xf32, #tpu.memory_space<vmem>>, vector<16xf32>,
      %sub3A_238 = arith.subf %get3A_237, %gather3A_235 : vector<16xf32>
      %mul3A_239 = arith.mulf %sub3A_238, %sub3A_238 : vector<16xf32>
      %add3A_240 = arith.addf %scan3A_205, %mul3A_239 : vector<16xf32>
      %mul3A_241 = arith.constant 8 : i32
      %mul3A_242 = arith.muli %scan3A_203, %mul3A_241 : i32
      %add3A_243 = arith.constant 2 : i32
      %add3A_244 = arith.addi %mul3A_242, %add3A_243 : i32
      %mul3A_245 = arith.constant 16 : i32
      %mul3A_246 = arith.muli %add3A_244, %mul3A_245 : i32
      %add3A_247 = arith.constant 12288 : i32
      %add3A_248 = arith.addi %add3A_247, %mul3A_246 : i32
      %get3A_249 = arith.index_cast %add3A_248 : i32 to index
      %get3A_250 = tpu.vector_load %arg7[%get3A_249] {strides = array<i32>} : memref<16384xi32, #tpu.memory_space<vmem>>, vector<16xi32>,
      %gather3A_251 = tpu.vector_load_idx %arg6[%get3A_250] : memref<100000xf32, #tpu.memory_space<vmem>>[vector<16xi32>], vector<16xf32>,
      %get3A_252 = arith.index_cast %mul3A_246 : i32 to index
      %get3A_253 = tpu.vector_load %arg9[%get3A_252] {strides = array<i32>} : memref<4096xf32, #tpu.memory_space<vmem>>, vector<16xf32>,
      %sub3A_254 = arith.subf %get3A_253, %gather3A_251 : vector<16xf32>
      %mul3A_255 = arith.mulf %sub3A_254, %sub3A_254 : vector<16xf32>
      %add3A_256 = arith.addf %scan3A_206, %mul3A_255 : vector<16xf32>
      %mul3A_257 = arith.constant 8 : i32
      %mul3A_258 = arith.muli %scan3A_203, %mul3A_257 : i32
      %add3A_259 = arith.constant 3 : i32
      %add3A_260 = arith.addi %mul3A_258, %add3A_259 : i32
      %mul3A_261 = arith.constant 16 : i32
      %mul3A_262 = arith.muli %add3A_260, %mul3A_261 : i32
      %add3A_263 = arith.constant 12288 : i32
      %add3A_264 = arith.addi %add3A_263, %mul3A_262 : i32
      %get3A_265 = arith.index_cast %add3A_264 : i32 to index
      %get3A_266 = tpu.vector_load %arg7[%get3A_265] {strides = array<i32>} : memref<16384xi32, #tpu.memory_space<vmem>>, vector<16xi32>,
      %gather3A_267 = tpu.vector_load_idx %arg6[%get3A_266] : memref<100000xf32, #tpu.memory_space<vmem>>[vector<16xi32>], vector<16xf32>,
      %get3A_268 = arith.index_cast %mul3A_262 : i32 to index
      %get3A_269 = tpu.vector_load %arg9[%get3A_268] {strides = array<i32>} : memref<4096xf32, #tpu.memory_space<vmem>>, vector<16xf32>,
      %sub3A_270 = arith.subf %get3A_269, %gather3A_267 : vector<16xf32>
      %mul3A_271 = arith.mulf %sub3A_270, %sub3A_270 : vector<16xf32>
      %add3A_272 = arith.addf %scan3A_207, %mul3A_271 : vector<16xf32>
      %mul3A_273 = arith.constant 8 : i32
      %mul3A_274 = arith.muli %scan3A_203, %mul3A_273 : i32
      %add3A_275 = arith.constant 4 : i32
      %add3A_276 = arith.addi %mul3A_274, %add3A_275 : i32
      %mul3A_277 = arith.constant 16 : i32
      %mul3A_278 = arith.muli %add3A_276, %mul3A_277 : i32
      %add3A_279 = arith.constant 12288 : i32
      %add3A_280 = arith.addi %add3A_279, %mul3A_278 : i32
      %get3A_281 = arith.index_cast %add3A_280 : i32 to index
      %get3A_282 = tpu.vector_load %arg7[%get3A_281] {strides = array<i32>} : memref<16384xi32, #tpu.memory_space<vmem>>, vector<16xi32>,
      %gather3A_283 = tpu.vector_load_idx %arg6[%get3A_282] : memref<100000xf32, #tpu.memory_space<vmem>>[vector<16xi32>], vector<16xf32>,
      %get3A_284 = arith.index_cast %mul3A_278 : i32 to index
      %get3A_285 = tpu.vector_load %arg9[%get3A_284] {strides = array<i32>} : memref<4096xf32, #tpu.memory_space<vmem>>, vector<16xf32>,
      %sub3A_286 = arith.subf %get3A_285, %gather3A_283 : vector<16xf32>
      %mul3A_287 = arith.mulf %sub3A_286, %sub3A_286 : vector<16xf32>
      %add3A_288 = arith.addf %scan3A_208, %mul3A_287 : vector<16xf32>
      %mul3A_289 = arith.constant 8 : i32
      %mul3A_290 = arith.muli %scan3A_203, %mul3A_289 : i32
      %add3A_291 = arith.constant 5 : i32
      %add3A_292 = arith.addi %mul3A_290, %add3A_291 : i32
      %mul3A_293 = arith.constant 16 : i32
      %mul3A_294 = arith.muli %add3A_292, %mul3A_293 : i32
      %add3A_295 = arith.constant 12288 : i32
      %add3A_296 = arith.addi %add3A_295, %mul3A_294 : i32
      %get3A_297 = arith.index_cast %add3A_296 : i32 to index
      %get3A_298 = tpu.vector_load %arg7[%get3A_297] {strides = array<i32>} : memref<16384xi32, #tpu.memory_space<vmem>>, vector<16xi32>,
      %gather3A_299 = tpu.vector_load_idx %arg6[%get3A_298] : memref<100000xf32, #tpu.memory_space<vmem>>[vector<16xi32>], vector<16xf32>,
      %get3A_300 = arith.index_cast %mul3A_294 : i32 to index
      %get3A_301 = tpu.vector_load %arg9[%get3A_300] {strides = array<i32>} : memref<4096xf32, #tpu.memory_space<vmem>>, vector<16xf32>,
      %sub3A_302 = arith.subf %get3A_301, %gather3A_299 : vector<16xf32>
      %mul3A_303 = arith.mulf %sub3A_302, %sub3A_302 : vector<16xf32>
      %add3A_304 = arith.addf %scan3A_209, %mul3A_303 : vector<16xf32>
      %mul3A_305 = arith.constant 8 : i32
      %mul3A_306 = arith.muli %scan3A_203, %mul3A_305 : i32
      %add3A_307 = arith.constant 6 : i32
      %add3A_308 = arith.addi %mul3A_306, %add3A_307 : i32
      %mul3A_309 = arith.constant 16 : i32
      %mul3A_310 = arith.muli %add3A_308, %mul3A_309 : i32
      %add3A_311 = arith.constant 12288 : i32
      %add3A_312 = arith.addi %add3A_311, %mul3A_310 : i32
      %get3A_313 = arith.index_cast %add3A_312 : i32 to index
      %get3A_314 = tpu.vector_load %arg7[%get3A_313] {strides = array<i32>} : memref<16384xi32, #tpu.memory_space<vmem>>, vector<16xi32>,
      %gather3A_315 = tpu.vector_load_idx %arg6[%get3A_314] : memref<100000xf32, #tpu.memory_space<vmem>>[vector<16xi32>], vector<16xf32>,
      %get3A_316 = arith.index_cast %mul3A_310 : i32 to index
      %get3A_317 = tpu.vector_load %arg9[%get3A_316] {strides = array<i32>} : memref<4096xf32, #tpu.memory_space<vmem>>, vector<16xf32>,
      %sub3A_318 = arith.subf %get3A_317, %gather3A_315 : vector<16xf32>
      %mul3A_319 = arith.mulf %sub3A_318, %sub3A_318 : vector<16xf32>
      %add3A_320 = arith.addf %scan3A_210, %mul3A_319 : vector<16xf32>
      %mul3A_321 = arith.constant 8 : i32
      %mul3A_322 = arith.muli %scan3A_203, %mul3A_321 : i32
      %add3A_323 = arith.constant 7 : i32
      %add3A_324 = arith.addi %mul3A_322, %add3A_323 : i32
      %mul3A_325 = arith.constant 16 : i32
      %mul3A_326 = arith.muli %add3A_324, %mul3A_325 : i32
      %add3A_327 = arith.constant 12288 : i32
      %add3A_328 = arith.addi %add3A_327, %mul3A_326 : i32
      %get3A_329 = arith.index_cast %add3A_328 : i32 to index
      %get3A_330 = tpu.vector_load %arg7[%get3A_329] {strides = array<i32>} : memref<16384xi32, #tpu.memory_space<vmem>>, vector<16xi32>,
      %gather3A_331 = tpu.vector_load_idx %arg6[%get3A_330] : memref<100000xf32, #tpu.memory_space<vmem>>[vector<16xi32>], vector<16xf32>,
      %get3A_332 = arith.index_cast %mul3A_326 : i32 to index
      %get3A_333 = tpu.vector_load %arg9[%get3A_332] {strides = array<i32>} : memref<4096xf32, #tpu.memory_space<vmem>>, vector<16xf32>,
      %sub3A_334 = arith.subf %get3A_333, %gather3A_331 : vector<16xf32>
      %mul3A_335 = arith.mulf %sub3A_334, %sub3A_334 : vector<16xf32>
      %add3A_336 = arith.addf %scan3A_211, %mul3A_335 : vector<16xf32>
      scf.yield %add3A_224, %add3A_240, %add3A_256, %add3A_272, %add3A_288, %add3A_304, %add3A_320, %add3A_336 : vector<16xf32>, vector<16xf32>, vector<16xf32>, vector<16xf32>, vector<16xf32>, vector<16xf32>, vector<16xf32>, vector<16xf32>
    }
    %scan3A_100 = arith.constant 32 : i32
    %add3A_101 = arith.constant 0 : i32
    %add3A_102 = arith.addi %mul3A_2, %add3A_101 : i32
    %add3A_103 = arith.constant 1 : i32
    %add3A_104 = arith.addi %add3A_102, %add3A_103 : i32
    %dma_start3A_105 = arith.constant 0 : i32
    %dma_start3A_106 = tpu.memref_slice %arg4[%add3A_104, %dma_start3A_105] : memref<64x100000xf32, #tpu.memory_space<hbm>> -> memref<1x100000xf32, #tpu.memory_space<hbm>>
    %dma_start3A_107 = tpu.memref_squeeze %dma_start3A_106 : memref<1x100000xf32, #tpu.memory_space<hbm>> -> memref<100000xf32, #tpu.memory_space<hbm>>
    %dma_start3A_108 = arith.constant 0 : i32
    %dma_start3A_109 = tpu.memref_slice %arg4[%add3A_104, %dma_start3A_108] : memref<64x100000xf32, #tpu.memory_space<hbm>> -> memref<1x100000xf32, #tpu.memory_space<hbm>>
    %dma_start3A_110 = tpu.memref_squeeze %dma_start3A_109 : memref<1x100000xf32, #tpu.memory_space<hbm>> -> memref<100000xf32, #tpu.memory_space<hbm>>
    tpu.enqueue_dma source(%dma_start3A_110 : memref<100000xf32, #tpu.memory_space<hbm>>) target(%arg6 : memref<100000xf32, #tpu.memory_space<vmem>>) target_semaphore(%arg11 : memref<!tpu.dma_semaphore, #tpu.memory_space<semaphore_mem>>)
    %add3A_111 = arith.constant 0 : i32
    %add3A_112 = arith.addi %mul3A_2, %add3A_111 : i32
    %add3A_113 = arith.constant 1 : i32
    %add3A_114 = arith.addi %add3A_112, %add3A_113 : i32
    %dma_start3A_115 = arith.constant 0 : i32
    %dma_start3A_116 = tpu.memref_slice %arg2[%add3A_114, %dma_start3A_115] : memref<64x16384xf32, #tpu.memory_space<hbm>> -> memref<1x4096xf32, #tpu.memory_space<hbm>>
    %dma_start3A_117 = tpu.memref_squeeze %dma_start3A_116 : memref<1x4096xf32, #tpu.memory_space<hbm>> -> memref<4096xf32, #tpu.memory_space<hbm>>
    %dma_start3A_118 = arith.constant 0 : i32
    %dma_start3A_119 = tpu.memref_slice %arg2[%add3A_114, %dma_start3A_118] : memref<64x16384xf32, #tpu.memory_space<hbm>> -> memref<1x4096xf32, #tpu.memory_space<hbm>>
    %dma_start3A_120 = tpu.memref_squeeze %dma_start3A_119 : memref<1x4096xf32, #tpu.memory_space<hbm>> -> memref<4096xf32, #tpu.memory_space<hbm>>
    tpu.enqueue_dma source(%dma_start3A_120 : memref<4096xf32, #tpu.memory_space<hbm>>) target(%arg8 : memref<4096xf32, #tpu.memory_space<vmem>>) target_semaphore(%arg12 : memref<!tpu.dma_semaphore, #tpu.memory_space<semaphore_mem>>)
    %add3A_121 = arith.constant 1 : i32
    %add3A_122 = arith.addi %mul3A_2, %add3A_121 : i32
    %dma_wait3A_123 = arith.constant 0 : i32
    %dma_wait3A_124 = tpu.memref_slice %arg4[%add3A_104, %dma_wait3A_123] : memref<64x100000xf32, #tpu.memory_space<hbm>> -> memref<1x100000xf32, #tpu.memory_space<hbm>>
    %dma_wait3A_125 = tpu.memref_squeeze %dma_wait3A_124 : memref<1x100000xf32, #tpu.memory_space<hbm>> -> memref<100000xf32, #tpu.memory_space<hbm>>
    %dma_wait3A_126 = arith.constant 0 : i32
    %dma_wait3A_127 = tpu.memref_slice %arg4[%add3A_104, %dma_wait3A_126] : memref<64x100000xf32, #tpu.memory_space<hbm>> -> memref<1x100000xf32, #tpu.memory_space<hbm>>
    %dma_wait3A_128 = tpu.memref_squeeze %dma_wait3A_127 : memref<1x100000xf32, #tpu.memory_space<hbm>> -> memref<100000xf32, #tpu.memory_space<hbm>>
    tpu.wait_dma2 semaphore(%arg11 : memref<!tpu.dma_semaphore, #tpu.memory_space<semaphore_mem>>) src(%dma_wait3A_128 : memref<100000xf32, #tpu.memory_space<hbm>>) dst(%arg6 : memref<100000xf32, #tpu.memory_space<vmem>>)
    %dma_wait3A_129 = arith.constant 0 : i32
    %dma_wait3A_130 = tpu.memref_slice %arg2[%add3A_114, %dma_wait3A_129] : memref<64x16384xf32, #tpu.memory_space<hbm>> -> memref<1x4096xf32, #tpu.memory_space<hbm>>
    %dma_wait3A_131 = tpu.memref_squeeze %dma_wait3A_130 : memref<1x4096xf32, #tpu.memory_space<hbm>> -> memref<4096xf32, #tpu.memory_space<hbm>>
    %dma_wait3A_132 = arith.constant 0 : i32
    %dma_wait3A_133 = tpu.memref_slice %arg2[%add3A_114, %dma_wait3A_132] : memref<64x16384xf32, #tpu.memory_space<hbm>> -> memref<1x4096xf32, #tpu.memory_space<hbm>>
    %dma_wait3A_134 = tpu.memref_squeeze %dma_wait3A_133 : memref<1x4096xf32, #tpu.memory_space<hbm>> -> memref<4096xf32, #tpu.memory_space<hbm>>
    tpu.wait_dma2 semaphore(%arg12 : memref<!tpu.dma_semaphore, #tpu.memory_space<semaphore_mem>>) src(%dma_wait3A_134 : memref<4096xf32, #tpu.memory_space<hbm>>) dst(%arg8 : memref<4096xf32, #tpu.memory_space<vmem>>)
    %dma_start3A_135 = arith.constant 4096 : i32
    %dma_start3A_136 = tpu.memref_slice %arg2[%add3A_122, %dma_start3A_135] : memref<64x16384xf32, #tpu.memory_space<hbm>> -> memref<1x4096xf32, #tpu.memory_space<hbm>>
    %dma_start3A_137 = tpu.memref_squeeze %dma_start3A_136 : memref<1x4096xf32, #tpu.memory_space<hbm>> -> memref<4096xf32, #tpu.memory_space<hbm>>
    %dma_start3A_138 = arith.constant 4096 : i32
    %dma_start3A_139 = tpu.memref_slice %arg2[%add3A_122, %dma_start3A_138] : memref<64x16384xf32, #tpu.memory_space<hbm>> -> memref<1x4096xf32, #tpu.memory_space<hbm>>
    %dma_start3A_140 = tpu.memref_squeeze %dma_start3A_139 : memref<1x4096xf32, #tpu.memory_space<hbm>> -> memref<4096xf32, #tpu.memory_space<hbm>>
    tpu.enqueue_dma source(%dma_start3A_140 : memref<4096xf32, #tpu.memory_space<hbm>>) target(%arg9 : memref<4096xf32, #tpu.memory_space<vmem>>) target_semaphore(%arg13 : memref<!tpu.dma_semaphore, #tpu.memory_space<semaphore_mem>>)
    %scan3A_141 = arith.constant 0 : i32
    %scan3A_142 = arith.constant 32 : i32
    %scan3A_143 = arith.addi %scan3A_141, %scan3A_142 : i32
    %scan3A_144 = arith.constant 1 : i32
    %scan3A_145:8 = scf.for %scan3A_203 = %scan3A_141 to %scan3A_143 step %scan3A_144 iter_args(%scan3A_204 = %scan3A_99#0, %scan3A_205 = %scan3A_99#1, %scan3A_206 = %scan3A_99#2, %scan3A_207 = %scan3A_99#3, %scan3A_208 = %scan3A_99#4, %scan3A_209 = %scan3A_99#5, %scan3A_210 = %scan3A_99#6, %scan3A_211 = %scan3A_99#7) -> (vector<16xf32>, vector<16xf32>, vector<16xf32>, vector<16xf32>, vector<16xf32>, vector<16xf32>, vector<16xf32>, vector<16xf32>)  : i32 {
      %mul3A_212 = arith.constant 8 : i32
      %mul3A_213 = arith.muli %scan3A_203, %mul3A_212 : i32
      %add3A_214 = arith.constant 0 : i32
      %add3A_215 = arith.addi %mul3A_213, %add3A_214 : i32
      %mul3A_216 = arith.constant 16 : i32
      %mul3A_217 = arith.muli %add3A_215, %mul3A_216 : i32
      %add3A_218 = arith.constant 0 : i32
      %add3A_219 = arith.addi %add3A_218, %mul3A_217 : i32
      %get3A = arith.index_cast %add3A_219 : i32 to index
      %get3A_220 = tpu.vector_load %arg7[%get3A] {strides = array<i32>} : memref<16384xi32, #tpu.memory_space<vmem>>, vector<16xi32>,
      %gather3A = tpu.vector_load_idx %arg6[%get3A_220] : memref<100000xf32, #tpu.memory_space<vmem>>[vector<16xi32>], vector<16xf32>,
      %get3A_221 = arith.index_cast %mul3A_217 : i32 to index
      %get3A_222 = tpu.vector_load %arg8[%get3A_221] {strides = array<i32>} : memref<4096xf32, #tpu.memory_space<vmem>>, vector<16xf32>,
      %sub3A = arith.subf %get3A_222, %gather3A : vector<16xf32>
      %mul3A_223 = arith.mulf %sub3A, %sub3A : vector<16xf32>
      %add3A_224 = arith.addf %scan3A_204, %mul3A_223 : vector<16xf32>
      %mul3A_225 = arith.constant 8 : i32
      %mul3A_226 = arith.muli %scan3A_203, %mul3A_225 : i32
      %add3A_227 = arith.constant 1 : i32
      %add3A_228 = arith.addi %mul3A_226, %add3A_227 : i32
      %mul3A_229 = arith.constant 16 : i32
      %mul3A_230 = arith.muli %add3A_228, %mul3A_229 : i32
      %add3A_231 = arith.constant 0 : i32
      %add3A_232 = arith.addi %add3A_231, %mul3A_230 : i32
      %get3A_233 = arith.index_cast %add3A_232 : i32 to index
      %get3A_234 = tpu.vector_load %arg7[%get3A_233] {strides = array<i32>} : memref<16384xi32, #tpu.memory_space<vmem>>, vector<16xi32>,
      %gather3A_235 = tpu.vector_load_idx %arg6[%get3A_234] : memref<100000xf32, #tpu.memory_space<vmem>>[vector<16xi32>], vector<16xf32>,
      %get3A_236 = arith.index_cast %mul3A_230 : i32 to index
      %get3A_237 = tpu.vector_load %arg8[%get3A_236] {strides = array<i32>} : memref<4096xf32, #tpu.memory_space<vmem>>, vector<16xf32>,
      %sub3A_238 = arith.subf %get3A_237, %gather3A_235 : vector<16xf32>
      %mul3A_239 = arith.mulf %sub3A_238, %sub3A_238 : vector<16xf32>
      %add3A_240 = arith.addf %scan3A_205, %mul3A_239 : vector<16xf32>
      %mul3A_241 = arith.constant 8 : i32
      %mul3A_242 = arith.muli %scan3A_203, %mul3A_241 : i32
      %add3A_243 = arith.constant 2 : i32
      %add3A_244 = arith.addi %mul3A_242, %add3A_243 : i32
      %mul3A_245 = arith.constant 16 : i32
      %mul3A_246 = arith.muli %add3A_244, %mul3A_245 : i32
      %add3A_247 = arith.constant 0 : i32
      %add3A_248 = arith.addi %add3A_247, %mul3A_246 : i32
      %get3A_249 = arith.index_cast %add3A_248 : i32 to index
      %get3A_250 = tpu.vector_load %arg7[%get3A_249] {strides = array<i32>} : memref<16384xi32, #tpu.memory_space<vmem>>, vector<16xi32>,
      %gather3A_251 = tpu.vector_load_idx %arg6[%get3A_250] : memref<100000xf32, #tpu.memory_space<vmem>>[vector<16xi32>], vector<16xf32>,
      %get3A_252 = arith.index_cast %mul3A_246 : i32 to index
      %get3A_253 = tpu.vector_load %arg8[%get3A_252] {strides = array<i32>} : memref<4096xf32, #tpu.memory_space<vmem>>, vector<16xf32>,
      %sub3A_254 = arith.subf %get3A_253, %gather3A_251 : vector<16xf32>
      %mul3A_255 = arith.mulf %sub3A_254, %sub3A_254 : vector<16xf32>
      %add3A_256 = arith.addf %scan3A_206, %mul3A_255 : vector<16xf32>
      %mul3A_257 = arith.constant 8 : i32
      %mul3A_258 = arith.muli %scan3A_203, %mul3A_257 : i32
      %add3A_259 = arith.constant 3 : i32
      %add3A_260 = arith.addi %mul3A_258, %add3A_259 : i32
      %mul3A_261 = arith.constant 16 : i32
      %mul3A_262 = arith.muli %add3A_260, %mul3A_261 : i32
      %add3A_263 = arith.constant 0 : i32
      %add3A_264 = arith.addi %add3A_263, %mul3A_262 : i32
      %get3A_265 = arith.index_cast %add3A_264 : i32 to index
      %get3A_266 = tpu.vector_load %arg7[%get3A_265] {strides = array<i32>} : memref<16384xi32, #tpu.memory_space<vmem>>, vector<16xi32>,
      %gather3A_267 = tpu.vector_load_idx %arg6[%get3A_266] : memref<100000xf32, #tpu.memory_space<vmem>>[vector<16xi32>], vector<16xf32>,
      %get3A_268 = arith.index_cast %mul3A_262 : i32 to index
      %get3A_269 = tpu.vector_load %arg8[%get3A_268] {strides = array<i32>} : memref<4096xf32, #tpu.memory_space<vmem>>, vector<16xf32>,
      %sub3A_270 = arith.subf %get3A_269, %gather3A_267 : vector<16xf32>
      %mul3A_271 = arith.mulf %sub3A_270, %sub3A_270 : vector<16xf32>
      %add3A_272 = arith.addf %scan3A_207, %mul3A_271 : vector<16xf32>
      %mul3A_273 = arith.constant 8 : i32
      %mul3A_274 = arith.muli %scan3A_203, %mul3A_273 : i32
      %add3A_275 = arith.constant 4 : i32
      %add3A_276 = arith.addi %mul3A_274, %add3A_275 : i32
      %mul3A_277 = arith.constant 16 : i32
      %mul3A_278 = arith.muli %add3A_276, %mul3A_277 : i32
      %add3A_279 = arith.constant 0 : i32
      %add3A_280 = arith.addi %add3A_279, %mul3A_278 : i32
      %get3A_281 = arith.index_cast %add3A_280 : i32 to index
      %get3A_282 = tpu.vector_load %arg7[%get3A_281] {strides = array<i32>} : memref<16384xi32, #tpu.memory_space<vmem>>, vector<16xi32>,
      %gather3A_283 = tpu.vector_load_idx %arg6[%get3A_282] : memref<100000xf32, #tpu.memory_space<vmem>>[vector<16xi32>], vector<16xf32>,
      %get3A_284 = arith.index_cast %mul3A_278 : i32 to index
      %get3A_285 = tpu.vector_load %arg8[%get3A_284] {strides = array<i32>} : memref<4096xf32, #tpu.memory_space<vmem>>, vector<16xf32>,
      %sub3A_286 = arith.subf %get3A_285, %gather3A_283 : vector<16xf32>
      %mul3A_287 = arith.mulf %sub3A_286, %sub3A_286 : vector<16xf32>
      %add3A_288 = arith.addf %scan3A_208, %mul3A_287 : vector<16xf32>
      %mul3A_289 = arith.constant 8 : i32
      %mul3A_290 = arith.muli %scan3A_203, %mul3A_289 : i32
      %add3A_291 = arith.constant 5 : i32
      %add3A_292 = arith.addi %mul3A_290, %add3A_291 : i32
      %mul3A_293 = arith.constant 16 : i32
      %mul3A_294 = arith.muli %add3A_292, %mul3A_293 : i32
      %add3A_295 = arith.constant 0 : i32
      %add3A_296 = arith.addi %add3A_295, %mul3A_294 : i32
      %get3A_297 = arith.index_cast %add3A_296 : i32 to index
      %get3A_298 = tpu.vector_load %arg7[%get3A_297] {strides = array<i32>} : memref<16384xi32, #tpu.memory_space<vmem>>, vector<16xi32>,
      %gather3A_299 = tpu.vector_load_idx %arg6[%get3A_298] : memref<100000xf32, #tpu.memory_space<vmem>>[vector<16xi32>], vector<16xf32>,
      %get3A_300 = arith.index_cast %mul3A_294 : i32 to index
      %get3A_301 = tpu.vector_load %arg8[%get3A_300] {strides = array<i32>} : memref<4096xf32, #tpu.memory_space<vmem>>, vector<16xf32>,
      %sub3A_302 = arith.subf %get3A_301, %gather3A_299 : vector<16xf32>
      %mul3A_303 = arith.mulf %sub3A_302, %sub3A_302 : vector<16xf32>
      %add3A_304 = arith.addf %scan3A_209, %mul3A_303 : vector<16xf32>
      %mul3A_305 = arith.constant 8 : i32
      %mul3A_306 = arith.muli %scan3A_203, %mul3A_305 : i32
      %add3A_307 = arith.constant 6 : i32
      %add3A_308 = arith.addi %mul3A_306, %add3A_307 : i32
      %mul3A_309 = arith.constant 16 : i32
      %mul3A_310 = arith.muli %add3A_308, %mul3A_309 : i32
      %add3A_311 = arith.constant 0 : i32
      %add3A_312 = arith.addi %add3A_311, %mul3A_310 : i32
      %get3A_313 = arith.index_cast %add3A_312 : i32 to index
      %get3A_314 = tpu.vector_load %arg7[%get3A_313] {strides = array<i32>} : memref<16384xi32, #tpu.memory_space<vmem>>, vector<16xi32>,
      %gather3A_315 = tpu.vector_load_idx %arg6[%get3A_314] : memref<100000xf32, #tpu.memory_space<vmem>>[vector<16xi32>], vector<16xf32>,
      %get3A_316 = arith.index_cast %mul3A_310 : i32 to index
      %get3A_317 = tpu.vector_load %arg8[%get3A_316] {strides = array<i32>} : memref<4096xf32, #tpu.memory_space<vmem>>, vector<16xf32>,
      %sub3A_318 = arith.subf %get3A_317, %gather3A_315 : vector<16xf32>
      %mul3A_319 = arith.mulf %sub3A_318, %sub3A_318 : vector<16xf32>
      %add3A_320 = arith.addf %scan3A_210, %mul3A_319 : vector<16xf32>
      %mul3A_321 = arith.constant 8 : i32
      %mul3A_322 = arith.muli %scan3A_203, %mul3A_321 : i32
      %add3A_323 = arith.constant 7 : i32
      %add3A_324 = arith.addi %mul3A_322, %add3A_323 : i32
      %mul3A_325 = arith.constant 16 : i32
      %mul3A_326 = arith.muli %add3A_324, %mul3A_325 : i32
      %add3A_327 = arith.constant 0 : i32
      %add3A_328 = arith.addi %add3A_327, %mul3A_326 : i32
      %get3A_329 = arith.index_cast %add3A_328 : i32 to index
      %get3A_330 = tpu.vector_load %arg7[%get3A_329] {strides = array<i32>} : memref<16384xi32, #tpu.memory_space<vmem>>, vector<16xi32>,
      %gather3A_331 = tpu.vector_load_idx %arg6[%get3A_330] : memref<100000xf32, #tpu.memory_space<vmem>>[vector<16xi32>], vector<16xf32>,
      %get3A_332 = arith.index_cast %mul3A_326 : i32 to index
      %get3A_333 = tpu.vector_load %arg8[%get3A_332] {strides = array<i32>} : memref<4096xf32, #tpu.memory_space<vmem>>, vector<16xf32>,
      %sub3A_334 = arith.subf %get3A_333, %gather3A_331 : vector<16xf32>
      %mul3A_335 = arith.mulf %sub3A_334, %sub3A_334 : vector<16xf32>
      %add3A_336 = arith.addf %scan3A_211, %mul3A_335 : vector<16xf32>
      scf.yield %add3A_224, %add3A_240, %add3A_256, %add3A_272, %add3A_288, %add3A_304, %add3A_320, %add3A_336 : vector<16xf32>, vector<16xf32>, vector<16xf32>, vector<16xf32>, vector<16xf32>, vector<16xf32>, vector<16xf32>, vector<16xf32>
    }
    %scan3A_146 = arith.constant 32 : i32
    %dma_wait3A_147 = arith.constant 4096 : i32
    %dma_wait3A_148 = tpu.memref_slice %arg2[%add3A_122, %dma_wait3A_147] : memref<64x16384xf32, #tpu.memory_space<hbm>> -> memref<1x4096xf32, #tpu.memory_space<hbm>>
    %dma_wait3A_149 = tpu.memref_squeeze %dma_wait3A_148 : memref<1x4096xf32, #tpu.memory_space<hbm>> -> memref<4096xf32, #tpu.memory_space<hbm>>
    %dma_wait3A_150 = arith.constant 4096 : i32
    %dma_wait3A_151 = tpu.memref_slice %arg2[%add3A_122, %dma_wait3A_150] : memref<64x16384xf32, #tpu.memory_space<hbm>> -> memref<1x4096xf32, #tpu.memory_space<hbm>>
    %dma_wait3A_152 = tpu.memref_squeeze %dma_wait3A_151 : memref<1x4096xf32, #tpu.memory_space<hbm>> -> memref<4096xf32, #tpu.memory_space<hbm>>
    tpu.wait_dma2 semaphore(%arg13 : memref<!tpu.dma_semaphore, #tpu.memory_space<semaphore_mem>>) src(%dma_wait3A_152 : memref<4096xf32, #tpu.memory_space<hbm>>) dst(%arg9 : memref<4096xf32, #tpu.memory_space<vmem>>)
    %dma_start3A_153 = arith.constant 8192 : i32
    %dma_start3A_154 = tpu.memref_slice %arg2[%add3A_122, %dma_start3A_153] : memref<64x16384xf32, #tpu.memory_space<hbm>> -> memref<1x4096xf32, #tpu.memory_space<hbm>>
    %dma_start3A_155 = tpu.memref_squeeze %dma_start3A_154 : memref<1x4096xf32, #tpu.memory_space<hbm>> -> memref<4096xf32, #tpu.memory_space<hbm>>
    %dma_start3A_156 = arith.constant 8192 : i32
    %dma_start3A_157 = tpu.memref_slice %arg2[%add3A_122, %dma_start3A_156] : memref<64x16384xf32, #tpu.memory_space<hbm>> -> memref<1x4096xf32, #tpu.memory_space<hbm>>
    %dma_start3A_158 = tpu.memref_squeeze %dma_start3A_157 : memref<1x4096xf32, #tpu.memory_space<hbm>> -> memref<4096xf32, #tpu.memory_space<hbm>>
    tpu.enqueue_dma source(%dma_start3A_158 : memref<4096xf32, #tpu.memory_space<hbm>>) target(%arg8 : memref<4096xf32, #tpu.memory_space<vmem>>) target_semaphore(%arg12 : memref<!tpu.dma_semaphore, #tpu.memory_space<semaphore_mem>>)
    %scan3A_159 = arith.constant 0 : i32
    %scan3A_160 = arith.constant 32 : i32
    %scan3A_161 = arith.addi %scan3A_159, %scan3A_160 : i32
    %scan3A_162 = arith.constant 1 : i32
    %scan3A_163:8 = scf.for %scan3A_203 = %scan3A_159 to %scan3A_161 step %scan3A_162 iter_args(%scan3A_204 = %scan3A_145#0, %scan3A_205 = %scan3A_145#1, %scan3A_206 = %scan3A_145#2, %scan3A_207 = %scan3A_145#3, %scan3A_208 = %scan3A_145#4, %scan3A_209 = %scan3A_145#5, %scan3A_210 = %scan3A_145#6, %scan3A_211 = %scan3A_145#7) -> (vector<16xf32>, vector<16xf32>, vector<16xf32>, vector<16xf32>, vector<16xf32>, vector<16xf32>, vector<16xf32>, vector<16xf32>)  : i32 {
      %mul3A_212 = arith.constant 8 : i32
      %mul3A_213 = arith.muli %scan3A_203, %mul3A_212 : i32
      %add3A_214 = arith.constant 0 : i32
      %add3A_215 = arith.addi %mul3A_213, %add3A_214 : i32
      %mul3A_216 = arith.constant 16 : i32
      %mul3A_217 = arith.muli %add3A_215, %mul3A_216 : i32
      %add3A_218 = arith.constant 4096 : i32
      %add3A_219 = arith.addi %add3A_218, %mul3A_217 : i32
      %get3A = arith.index_cast %add3A_219 : i32 to index
      %get3A_220 = tpu.vector_load %arg7[%get3A] {strides = array<i32>} : memref<16384xi32, #tpu.memory_space<vmem>>, vector<16xi32>,
      %gather3A = tpu.vector_load_idx %arg6[%get3A_220] : memref<100000xf32, #tpu.memory_space<vmem>>[vector<16xi32>], vector<16xf32>,
      %get3A_221 = arith.index_cast %mul3A_217 : i32 to index
      %get3A_222 = tpu.vector_load %arg9[%get3A_221] {strides = array<i32>} : memref<4096xf32, #tpu.memory_space<vmem>>, vector<16xf32>,
      %sub3A = arith.subf %get3A_222, %gather3A : vector<16xf32>
      %mul3A_223 = arith.mulf %sub3A, %sub3A : vector<16xf32>
      %add3A_224 = arith.addf %scan3A_204, %mul3A_223 : vector<16xf32>
      %mul3A_225 = arith.constant 8 : i32
      %mul3A_226 = arith.muli %scan3A_203, %mul3A_225 : i32
      %add3A_227 = arith.constant 1 : i32
      %add3A_228 = arith.addi %mul3A_226, %add3A_227 : i32
      %mul3A_229 = arith.constant 16 : i32
      %mul3A_230 = arith.muli %add3A_228, %mul3A_229 : i32
      %add3A_231 = arith.constant 4096 : i32
      %add3A_232 = arith.addi %add3A_231, %mul3A_230 : i32
      %get3A_233 = arith.index_cast %add3A_232 : i32 to index
      %get3A_234 = tpu.vector_load %arg7[%get3A_233] {strides = array<i32>} : memref<16384xi32, #tpu.memory_space<vmem>>, vector<16xi32>,
      %gather3A_235 = tpu.vector_load_idx %arg6[%get3A_234] : memref<100000xf32, #tpu.memory_space<vmem>>[vector<16xi32>], vector<16xf32>,
      %get3A_236 = arith.index_cast %mul3A_230 : i32 to index
      %get3A_237 = tpu.vector_load %arg9[%get3A_236] {strides = array<i32>} : memref<4096xf32, #tpu.memory_space<vmem>>, vector<16xf32>,
      %sub3A_238 = arith.subf %get3A_237, %gather3A_235 : vector<16xf32>
      %mul3A_239 = arith.mulf %sub3A_238, %sub3A_238 : vector<16xf32>
      %add3A_240 = arith.addf %scan3A_205, %mul3A_239 : vector<16xf32>
      %mul3A_241 = arith.constant 8 : i32
      %mul3A_242 = arith.muli %scan3A_203, %mul3A_241 : i32
      %add3A_243 = arith.constant 2 : i32
      %add3A_244 = arith.addi %mul3A_242, %add3A_243 : i32
      %mul3A_245 = arith.constant 16 : i32
      %mul3A_246 = arith.muli %add3A_244, %mul3A_245 : i32
      %add3A_247 = arith.constant 4096 : i32
      %add3A_248 = arith.addi %add3A_247, %mul3A_246 : i32
      %get3A_249 = arith.index_cast %add3A_248 : i32 to index
      %get3A_250 = tpu.vector_load %arg7[%get3A_249] {strides = array<i32>} : memref<16384xi32, #tpu.memory_space<vmem>>, vector<16xi32>,
      %gather3A_251 = tpu.vector_load_idx %arg6[%get3A_250] : memref<100000xf32, #tpu.memory_space<vmem>>[vector<16xi32>], vector<16xf32>,
      %get3A_252 = arith.index_cast %mul3A_246 : i32 to index
      %get3A_253 = tpu.vector_load %arg9[%get3A_252] {strides = array<i32>} : memref<4096xf32, #tpu.memory_space<vmem>>, vector<16xf32>,
      %sub3A_254 = arith.subf %get3A_253, %gather3A_251 : vector<16xf32>
      %mul3A_255 = arith.mulf %sub3A_254, %sub3A_254 : vector<16xf32>
      %add3A_256 = arith.addf %scan3A_206, %mul3A_255 : vector<16xf32>
      %mul3A_257 = arith.constant 8 : i32
      %mul3A_258 = arith.muli %scan3A_203, %mul3A_257 : i32
      %add3A_259 = arith.constant 3 : i32
      %add3A_260 = arith.addi %mul3A_258, %add3A_259 : i32
      %mul3A_261 = arith.constant 16 : i32
      %mul3A_262 = arith.muli %add3A_260, %mul3A_261 : i32
      %add3A_263 = arith.constant 4096 : i32
      %add3A_264 = arith.addi %add3A_263, %mul3A_262 : i32
      %get3A_265 = arith.index_cast %add3A_264 : i32 to index
      %get3A_266 = tpu.vector_load %arg7[%get3A_265] {strides = array<i32>} : memref<16384xi32, #tpu.memory_space<vmem>>, vector<16xi32>,
      %gather3A_267 = tpu.vector_load_idx %arg6[%get3A_266] : memref<100000xf32, #tpu.memory_space<vmem>>[vector<16xi32>], vector<16xf32>,
      %get3A_268 = arith.index_cast %mul3A_262 : i32 to index
      %get3A_269 = tpu.vector_load %arg9[%get3A_268] {strides = array<i32>} : memref<4096xf32, #tpu.memory_space<vmem>>, vector<16xf32>,
      %sub3A_270 = arith.subf %get3A_269, %gather3A_267 : vector<16xf32>
      %mul3A_271 = arith.mulf %sub3A_270, %sub3A_270 : vector<16xf32>
      %add3A_272 = arith.addf %scan3A_207, %mul3A_271 : vector<16xf32>
      %mul3A_273 = arith.constant 8 : i32
      %mul3A_274 = arith.muli %scan3A_203, %mul3A_273 : i32
      %add3A_275 = arith.constant 4 : i32
      %add3A_276 = arith.addi %mul3A_274, %add3A_275 : i32
      %mul3A_277 = arith.constant 16 : i32
      %mul3A_278 = arith.muli %add3A_276, %mul3A_277 : i32
      %add3A_279 = arith.constant 4096 : i32
      %add3A_280 = arith.addi %add3A_279, %mul3A_278 : i32
      %get3A_281 = arith.index_cast %add3A_280 : i32 to index
      %get3A_282 = tpu.vector_load %arg7[%get3A_281] {strides = array<i32>} : memref<16384xi32, #tpu.memory_space<vmem>>, vector<16xi32>,
      %gather3A_283 = tpu.vector_load_idx %arg6[%get3A_282] : memref<100000xf32, #tpu.memory_space<vmem>>[vector<16xi32>], vector<16xf32>,
      %get3A_284 = arith.index_cast %mul3A_278 : i32 to index
      %get3A_285 = tpu.vector_load %arg9[%get3A_284] {strides = array<i32>} : memref<4096xf32, #tpu.memory_space<vmem>>, vector<16xf32>,
      %sub3A_286 = arith.subf %get3A_285, %gather3A_283 : vector<16xf32>
      %mul3A_287 = arith.mulf %sub3A_286, %sub3A_286 : vector<16xf32>
      %add3A_288 = arith.addf %scan3A_208, %mul3A_287 : vector<16xf32>
      %mul3A_289 = arith.constant 8 : i32
      %mul3A_290 = arith.muli %scan3A_203, %mul3A_289 : i32
      %add3A_291 = arith.constant 5 : i32
      %add3A_292 = arith.addi %mul3A_290, %add3A_291 : i32
      %mul3A_293 = arith.constant 16 : i32
      %mul3A_294 = arith.muli %add3A_292, %mul3A_293 : i32
      %add3A_295 = arith.constant 4096 : i32
      %add3A_296 = arith.addi %add3A_295, %mul3A_294 : i32
      %get3A_297 = arith.index_cast %add3A_296 : i32 to index
      %get3A_298 = tpu.vector_load %arg7[%get3A_297] {strides = array<i32>} : memref<16384xi32, #tpu.memory_space<vmem>>, vector<16xi32>,
      %gather3A_299 = tpu.vector_load_idx %arg6[%get3A_298] : memref<100000xf32, #tpu.memory_space<vmem>>[vector<16xi32>], vector<16xf32>,
      %get3A_300 = arith.index_cast %mul3A_294 : i32 to index
      %get3A_301 = tpu.vector_load %arg9[%get3A_300] {strides = array<i32>} : memref<4096xf32, #tpu.memory_space<vmem>>, vector<16xf32>,
      %sub3A_302 = arith.subf %get3A_301, %gather3A_299 : vector<16xf32>
      %mul3A_303 = arith.mulf %sub3A_302, %sub3A_302 : vector<16xf32>
      %add3A_304 = arith.addf %scan3A_209, %mul3A_303 : vector<16xf32>
      %mul3A_305 = arith.constant 8 : i32
      %mul3A_306 = arith.muli %scan3A_203, %mul3A_305 : i32
      %add3A_307 = arith.constant 6 : i32
      %add3A_308 = arith.addi %mul3A_306, %add3A_307 : i32
      %mul3A_309 = arith.constant 16 : i32
      %mul3A_310 = arith.muli %add3A_308, %mul3A_309 : i32
      %add3A_311 = arith.constant 4096 : i32
      %add3A_312 = arith.addi %add3A_311, %mul3A_310 : i32
      %get3A_313 = arith.index_cast %add3A_312 : i32 to index
      %get3A_314 = tpu.vector_load %arg7[%get3A_313] {strides = array<i32>} : memref<16384xi32, #tpu.memory_space<vmem>>, vector<16xi32>,
      %gather3A_315 = tpu.vector_load_idx %arg6[%get3A_314] : memref<100000xf32, #tpu.memory_space<vmem>>[vector<16xi32>], vector<16xf32>,
      %get3A_316 = arith.index_cast %mul3A_310 : i32 to index
      %get3A_317 = tpu.vector_load %arg9[%get3A_316] {strides = array<i32>} : memref<4096xf32, #tpu.memory_space<vmem>>, vector<16xf32>,
      %sub3A_318 = arith.subf %get3A_317, %gather3A_315 : vector<16xf32>
      %mul3A_319 = arith.mulf %sub3A_318, %sub3A_318 : vector<16xf32>
      %add3A_320 = arith.addf %scan3A_210, %mul3A_319 : vector<16xf32>
      %mul3A_321 = arith.constant 8 : i32
      %mul3A_322 = arith.muli %scan3A_203, %mul3A_321 : i32
      %add3A_323 = arith.constant 7 : i32
      %add3A_324 = arith.addi %mul3A_322, %add3A_323 : i32
      %mul3A_325 = arith.constant 16 : i32
      %mul3A_326 = arith.muli %add3A_324, %mul3A_325 : i32
      %add3A_327 = arith.constant 4096 : i32
      %add3A_328 = arith.addi %add3A_327, %mul3A_326 : i32
      %get3A_329 = arith.index_cast %add3A_328 : i32 to index
      %get3A_330 = tpu.vector_load %arg7[%get3A_329] {strides = array<i32>} : memref<16384xi32, #tpu.memory_space<vmem>>, vector<16xi32>,
      %gather3A_331 = tpu.vector_load_idx %arg6[%get3A_330] : memref<100000xf32, #tpu.memory_space<vmem>>[vector<16xi32>], vector<16xf32>,
      %get3A_332 = arith.index_cast %mul3A_326 : i32 to index
      %get3A_333 = tpu.vector_load %arg9[%get3A_332] {strides = array<i32>} : memref<4096xf32, #tpu.memory_space<vmem>>, vector<16xf32>,
      %sub3A_334 = arith.subf %get3A_333, %gather3A_331 : vector<16xf32>
      %mul3A_335 = arith.mulf %sub3A_334, %sub3A_334 : vector<16xf32>
      %add3A_336 = arith.addf %scan3A_211, %mul3A_335 : vector<16xf32>
      scf.yield %add3A_224, %add3A_240, %add3A_256, %add3A_272, %add3A_288, %add3A_304, %add3A_320, %add3A_336 : vector<16xf32>, vector<16xf32>, vector<16xf32>, vector<16xf32>, vector<16xf32>, vector<16xf32>, vector<16xf32>, vector<16xf32>
    }
    %scan3A_164 = arith.constant 32 : i32
    %dma_wait3A_165 = arith.constant 8192 : i32
    %dma_wait3A_166 = tpu.memref_slice %arg2[%add3A_122, %dma_wait3A_165] : memref<64x16384xf32, #tpu.memory_space<hbm>> -> memref<1x4096xf32, #tpu.memory_space<hbm>>
    %dma_wait3A_167 = tpu.memref_squeeze %dma_wait3A_166 : memref<1x4096xf32, #tpu.memory_space<hbm>> -> memref<4096xf32, #tpu.memory_space<hbm>>
    %dma_wait3A_168 = arith.constant 8192 : i32
    %dma_wait3A_169 = tpu.memref_slice %arg2[%add3A_122, %dma_wait3A_168] : memref<64x16384xf32, #tpu.memory_space<hbm>> -> memref<1x4096xf32, #tpu.memory_space<hbm>>
    %dma_wait3A_170 = tpu.memref_squeeze %dma_wait3A_169 : memref<1x4096xf32, #tpu.memory_space<hbm>> -> memref<4096xf32, #tpu.memory_space<hbm>>
    tpu.wait_dma2 semaphore(%arg12 : memref<!tpu.dma_semaphore, #tpu.memory_space<semaphore_mem>>) src(%dma_wait3A_170 : memref<4096xf32, #tpu.memory_space<hbm>>) dst(%arg8 : memref<4096xf32, #tpu.memory_space<vmem>>)
    %dma_start3A_171 = arith.constant 12288 : i32
    %dma_start3A_172 = tpu.memref_slice %arg2[%add3A_122, %dma_start3A_171] : memref<64x16384xf32, #tpu.memory_space<hbm>> -> memref<1x4096xf32, #tpu.memory_space<hbm>>
    %dma_start3A_173 = tpu.memref_squeeze %dma_start3A_172 : memref<1x4096xf32, #tpu.memory_space<hbm>> -> memref<4096xf32, #tpu.memory_space<hbm>>
    %dma_start3A_174 = arith.constant 12288 : i32
    %dma_start3A_175 = tpu.memref_slice %arg2[%add3A_122, %dma_start3A_174] : memref<64x16384xf32, #tpu.memory_space<hbm>> -> memref<1x4096xf32, #tpu.memory_space<hbm>>
    %dma_start3A_176 = tpu.memref_squeeze %dma_start3A_175 : memref<1x4096xf32, #tpu.memory_space<hbm>> -> memref<4096xf32, #tpu.memory_space<hbm>>
    tpu.enqueue_dma source(%dma_start3A_176 : memref<4096xf32, #tpu.memory_space<hbm>>) target(%arg9 : memref<4096xf32, #tpu.memory_space<vmem>>) target_semaphore(%arg13 : memref<!tpu.dma_semaphore, #tpu.memory_space<semaphore_mem>>)
    %scan3A_177 = arith.constant 0 : i32
    %scan3A_178 = arith.constant 32 : i32
    %scan3A_179 = arith.addi %scan3A_177, %scan3A_178 : i32
    %scan3A_180 = arith.constant 1 : i32
    %scan3A_181:8 = scf.for %scan3A_203 = %scan3A_177 to %scan3A_179 step %scan3A_180 iter_args(%scan3A_204 = %scan3A_163#0, %scan3A_205 = %scan3A_163#1, %scan3A_206 = %scan3A_163#2, %scan3A_207 = %scan3A_163#3, %scan3A_208 = %scan3A_163#4, %scan3A_209 = %scan3A_163#5, %scan3A_210 = %scan3A_163#6, %scan3A_211 = %scan3A_163#7) -> (vector<16xf32>, vector<16xf32>, vector<16xf32>, vector<16xf32>, vector<16xf32>, vector<16xf32>, vector<16xf32>, vector<16xf32>)  : i32 {
      %mul3A_212 = arith.constant 8 : i32
      %mul3A_213 = arith.muli %scan3A_203, %mul3A_212 : i32
      %add3A_214 = arith.constant 0 : i32
      %add3A_215 = arith.addi %mul3A_213, %add3A_214 : i32
      %mul3A_216 = arith.constant 16 : i32
      %mul3A_217 = arith.muli %add3A_215, %mul3A_216 : i32
      %add3A_218 = arith.constant 8192 : i32
      %add3A_219 = arith.addi %add3A_218, %mul3A_217 : i32
      %get3A = arith.index_cast %add3A_219 : i32 to index
      %get3A_220 = tpu.vector_load %arg7[%get3A] {strides = array<i32>} : memref<16384xi32, #tpu.memory_space<vmem>>, vector<16xi32>,
      %gather3A = tpu.vector_load_idx %arg6[%get3A_220] : memref<100000xf32, #tpu.memory_space<vmem>>[vector<16xi32>], vector<16xf32>,
      %get3A_221 = arith.index_cast %mul3A_217 : i32 to index
      %get3A_222 = tpu.vector_load %arg8[%get3A_221] {strides = array<i32>} : memref<4096xf32, #tpu.memory_space<vmem>>, vector<16xf32>,
      %sub3A = arith.subf %get3A_222, %gather3A : vector<16xf32>
      %mul3A_223 = arith.mulf %sub3A, %sub3A : vector<16xf32>
      %add3A_224 = arith.addf %scan3A_204, %mul3A_223 : vector<16xf32>
      %mul3A_225 = arith.constant 8 : i32
      %mul3A_226 = arith.muli %scan3A_203, %mul3A_225 : i32
      %add3A_227 = arith.constant 1 : i32
      %add3A_228 = arith.addi %mul3A_226, %add3A_227 : i32
      %mul3A_229 = arith.constant 16 : i32
      %mul3A_230 = arith.muli %add3A_228, %mul3A_229 : i32
      %add3A_231 = arith.constant 8192 : i32
      %add3A_232 = arith.addi %add3A_231, %mul3A_230 : i32
      %get3A_233 = arith.index_cast %add3A_232 : i32 to index
      %get3A_234 = tpu.vector_load %arg7[%get3A_233] {strides = array<i32>} : memref<16384xi32, #tpu.memory_space<vmem>>, vector<16xi32>,
      %gather3A_235 = tpu.vector_load_idx %arg6[%get3A_234] : memref<100000xf32, #tpu.memory_space<vmem>>[vector<16xi32>], vector<16xf32>,
      %get3A_236 = arith.index_cast %mul3A_230 : i32 to index
      %get3A_237 = tpu.vector_load %arg8[%get3A_236] {strides = array<i32>} : memref<4096xf32, #tpu.memory_space<vmem>>, vector<16xf32>,
      %sub3A_238 = arith.subf %get3A_237, %gather3A_235 : vector<16xf32>
      %mul3A_239 = arith.mulf %sub3A_238, %sub3A_238 : vector<16xf32>
      %add3A_240 = arith.addf %scan3A_205, %mul3A_239 : vector<16xf32>
      %mul3A_241 = arith.constant 8 : i32
      %mul3A_242 = arith.muli %scan3A_203, %mul3A_241 : i32
      %add3A_243 = arith.constant 2 : i32
      %add3A_244 = arith.addi %mul3A_242, %add3A_243 : i32
      %mul3A_245 = arith.constant 16 : i32
      %mul3A_246 = arith.muli %add3A_244, %mul3A_245 : i32
      %add3A_247 = arith.constant 8192 : i32
      %add3A_248 = arith.addi %add3A_247, %mul3A_246 : i32
      %get3A_249 = arith.index_cast %add3A_248 : i32 to index
      %get3A_250 = tpu.vector_load %arg7[%get3A_249] {strides = array<i32>} : memref<16384xi32, #tpu.memory_space<vmem>>, vector<16xi32>,
      %gather3A_251 = tpu.vector_load_idx %arg6[%get3A_250] : memref<100000xf32, #tpu.memory_space<vmem>>[vector<16xi32>], vector<16xf32>,
      %get3A_252 = arith.index_cast %mul3A_246 : i32 to index
      %get3A_253 = tpu.vector_load %arg8[%get3A_252] {strides = array<i32>} : memref<4096xf32, #tpu.memory_space<vmem>>, vector<16xf32>,
      %sub3A_254 = arith.subf %get3A_253, %gather3A_251 : vector<16xf32>
      %mul3A_255 = arith.mulf %sub3A_254, %sub3A_254 : vector<16xf32>
      %add3A_256 = arith.addf %scan3A_206, %mul3A_255 : vector<16xf32>
      %mul3A_257 = arith.constant 8 : i32
      %mul3A_258 = arith.muli %scan3A_203, %mul3A_257 : i32
      %add3A_259 = arith.constant 3 : i32
      %add3A_260 = arith.addi %mul3A_258, %add3A_259 : i32
      %mul3A_261 = arith.constant 16 : i32
      %mul3A_262 = arith.muli %add3A_260, %mul3A_261 : i32
      %add3A_263 = arith.constant 8192 : i32
      %add3A_264 = arith.addi %add3A_263, %mul3A_262 : i32
      %get3A_265 = arith.index_cast %add3A_264 : i32 to index
      %get3A_266 = tpu.vector_load %arg7[%get3A_265] {strides = array<i32>} : memref<16384xi32, #tpu.memory_space<vmem>>, vector<16xi32>,
      %gather3A_267 = tpu.vector_load_idx %arg6[%get3A_266] : memref<100000xf32, #tpu.memory_space<vmem>>[vector<16xi32>], vector<16xf32>,
      %get3A_268 = arith.index_cast %mul3A_262 : i32 to index
      %get3A_269 = tpu.vector_load %arg8[%get3A_268] {strides = array<i32>} : memref<4096xf32, #tpu.memory_space<vmem>>, vector<16xf32>,
      %sub3A_270 = arith.subf %get3A_269, %gather3A_267 : vector<16xf32>
      %mul3A_271 = arith.mulf %sub3A_270, %sub3A_270 : vector<16xf32>
      %add3A_272 = arith.addf %scan3A_207, %mul3A_271 : vector<16xf32>
      %mul3A_273 = arith.constant 8 : i32
      %mul3A_274 = arith.muli %scan3A_203, %mul3A_273 : i32
      %add3A_275 = arith.constant 4 : i32
      %add3A_276 = arith.addi %mul3A_274, %add3A_275 : i32
      %mul3A_277 = arith.constant 16 : i32
      %mul3A_278 = arith.muli %add3A_276, %mul3A_277 : i32
      %add3A_279 = arith.constant 8192 : i32
      %add3A_280 = arith.addi %add3A_279, %mul3A_278 : i32
      %get3A_281 = arith.index_cast %add3A_280 : i32 to index
      %get3A_282 = tpu.vector_load %arg7[%get3A_281] {strides = array<i32>} : memref<16384xi32, #tpu.memory_space<vmem>>, vector<16xi32>,
      %gather3A_283 = tpu.vector_load_idx %arg6[%get3A_282] : memref<100000xf32, #tpu.memory_space<vmem>>[vector<16xi32>], vector<16xf32>,
      %get3A_284 = arith.index_cast %mul3A_278 : i32 to index
      %get3A_285 = tpu.vector_load %arg8[%get3A_284] {strides = array<i32>} : memref<4096xf32, #tpu.memory_space<vmem>>, vector<16xf32>,
      %sub3A_286 = arith.subf %get3A_285, %gather3A_283 : vector<16xf32>
      %mul3A_287 = arith.mulf %sub3A_286, %sub3A_286 : vector<16xf32>
      %add3A_288 = arith.addf %scan3A_208, %mul3A_287 : vector<16xf32>
      %mul3A_289 = arith.constant 8 : i32
      %mul3A_290 = arith.muli %scan3A_203, %mul3A_289 : i32
      %add3A_291 = arith.constant 5 : i32
      %add3A_292 = arith.addi %mul3A_290, %add3A_291 : i32
      %mul3A_293 = arith.constant 16 : i32
      %mul3A_294 = arith.muli %add3A_292, %mul3A_293 : i32
      %add3A_295 = arith.constant 8192 : i32
      %add3A_296 = arith.addi %add3A_295, %mul3A_294 : i32
      %get3A_297 = arith.index_cast %add3A_296 : i32 to index
      %get3A_298 = tpu.vector_load %arg7[%get3A_297] {strides = array<i32>} : memref<16384xi32, #tpu.memory_space<vmem>>, vector<16xi32>,
      %gather3A_299 = tpu.vector_load_idx %arg6[%get3A_298] : memref<100000xf32, #tpu.memory_space<vmem>>[vector<16xi32>], vector<16xf32>,
      %get3A_300 = arith.index_cast %mul3A_294 : i32 to index
      %get3A_301 = tpu.vector_load %arg8[%get3A_300] {strides = array<i32>} : memref<4096xf32, #tpu.memory_space<vmem>>, vector<16xf32>,
      %sub3A_302 = arith.subf %get3A_301, %gather3A_299 : vector<16xf32>
      %mul3A_303 = arith.mulf %sub3A_302, %sub3A_302 : vector<16xf32>
      %add3A_304 = arith.addf %scan3A_209, %mul3A_303 : vector<16xf32>
      %mul3A_305 = arith.constant 8 : i32
      %mul3A_306 = arith.muli %scan3A_203, %mul3A_305 : i32
      %add3A_307 = arith.constant 6 : i32
      %add3A_308 = arith.addi %mul3A_306, %add3A_307 : i32
      %mul3A_309 = arith.constant 16 : i32
      %mul3A_310 = arith.muli %add3A_308, %mul3A_309 : i32
      %add3A_311 = arith.constant 8192 : i32
      %add3A_312 = arith.addi %add3A_311, %mul3A_310 : i32
      %get3A_313 = arith.index_cast %add3A_312 : i32 to index
      %get3A_314 = tpu.vector_load %arg7[%get3A_313] {strides = array<i32>} : memref<16384xi32, #tpu.memory_space<vmem>>, vector<16xi32>,
      %gather3A_315 = tpu.vector_load_idx %arg6[%get3A_314] : memref<100000xf32, #tpu.memory_space<vmem>>[vector<16xi32>], vector<16xf32>,
      %get3A_316 = arith.index_cast %mul3A_310 : i32 to index
      %get3A_317 = tpu.vector_load %arg8[%get3A_316] {strides = array<i32>} : memref<4096xf32, #tpu.memory_space<vmem>>, vector<16xf32>,
      %sub3A_318 = arith.subf %get3A_317, %gather3A_315 : vector<16xf32>
      %mul3A_319 = arith.mulf %sub3A_318, %sub3A_318 : vector<16xf32>
      %add3A_320 = arith.addf %scan3A_210, %mul3A_319 : vector<16xf32>
      %mul3A_321 = arith.constant 8 : i32
      %mul3A_322 = arith.muli %scan3A_203, %mul3A_321 : i32
      %add3A_323 = arith.constant 7 : i32
      %add3A_324 = arith.addi %mul3A_322, %add3A_323 : i32
      %mul3A_325 = arith.constant 16 : i32
      %mul3A_326 = arith.muli %add3A_324, %mul3A_325 : i32
      %add3A_327 = arith.constant 8192 : i32
      %add3A_328 = arith.addi %add3A_327, %mul3A_326 : i32
      %get3A_329 = arith.index_cast %add3A_328 : i32 to index
      %get3A_330 = tpu.vector_load %arg7[%get3A_329] {strides = array<i32>} : memref<16384xi32, #tpu.memory_space<vmem>>, vector<16xi32>,
      %gather3A_331 = tpu.vector_load_idx %arg6[%get3A_330] : memref<100000xf32, #tpu.memory_space<vmem>>[vector<16xi32>], vector<16xf32>,
      %get3A_332 = arith.index_cast %mul3A_326 : i32 to index
      %get3A_333 = tpu.vector_load %arg8[%get3A_332] {strides = array<i32>} : memref<4096xf32, #tpu.memory_space<vmem>>, vector<16xf32>,
      %sub3A_334 = arith.subf %get3A_333, %gather3A_331 : vector<16xf32>
      %mul3A_335 = arith.mulf %sub3A_334, %sub3A_334 : vector<16xf32>
      %add3A_336 = arith.addf %scan3A_211, %mul3A_335 : vector<16xf32>
      scf.yield %add3A_224, %add3A_240, %add3A_256, %add3A_272, %add3A_288, %add3A_304, %add3A_320, %add3A_336 : vector<16xf32>, vector<16xf32>, vector<16xf32>, vector<16xf32>, vector<16xf32>, vector<16xf32>, vector<16xf32>, vector<16xf32>
    }
    %scan3A_182 = arith.constant 32 : i32
    %dma_wait3A_183 = arith.constant 12288 : i32
    %dma_wait3A_184 = tpu.memref_slice %arg2[%add3A_122, %dma_wait3A_183] : memref<64x16384xf32, #tpu.memory_space<hbm>> -> memref<1x4096xf32, #tpu.memory_space<hbm>>
    %dma_wait3A_185 = tpu.memref_squeeze %dma_wait3A_184 : memref<1x4096xf32, #tpu.memory_space<hbm>> -> memref<4096xf32, #tpu.memory_space<hbm>>
    %dma_wait3A_186 = arith.constant 12288 : i32
    %dma_wait3A_187 = tpu.memref_slice %arg2[%add3A_122, %dma_wait3A_186] : memref<64x16384xf32, #tpu.memory_space<hbm>> -> memref<1x4096xf32, #tpu.memory_space<hbm>>
    %dma_wait3A_188 = tpu.memref_squeeze %dma_wait3A_187 : memref<1x4096xf32, #tpu.memory_space<hbm>> -> memref<4096xf32, #tpu.memory_space<hbm>>
    tpu.wait_dma2 semaphore(%arg13 : memref<!tpu.dma_semaphore, #tpu.memory_space<semaphore_mem>>) src(%dma_wait3A_188 : memref<4096xf32, #tpu.memory_space<hbm>>) dst(%arg9 : memref<4096xf32, #tpu.memory_space<vmem>>)
    %scan3A_189 = arith.constant 0 : i32
    %scan3A_190 = arith.constant 32 : i32
    %scan3A_191 = arith.addi %scan3A_189, %scan3A_190 : i32
    %scan3A_192 = arith.constant 1 : i32
    %scan3A_193:8 = scf.for %scan3A_203 = %scan3A_189 to %scan3A_191 step %scan3A_192 iter_args(%scan3A_204 = %scan3A_181#0, %scan3A_205 = %scan3A_181#1, %scan3A_206 = %scan3A_181#2, %scan3A_207 = %scan3A_181#3, %scan3A_208 = %scan3A_181#4, %scan3A_209 = %scan3A_181#5, %scan3A_210 = %scan3A_181#6, %scan3A_211 = %scan3A_181#7) -> (vector<16xf32>, vector<16xf32>, vector<16xf32>, vector<16xf32>, vector<16xf32>, vector<16xf32>, vector<16xf32>, vector<16xf32>)  : i32 {
      %mul3A_212 = arith.constant 8 : i32
      %mul3A_213 = arith.muli %scan3A_203, %mul3A_212 : i32
      %add3A_214 = arith.constant 0 : i32
      %add3A_215 = arith.addi %mul3A_213, %add3A_214 : i32
      %mul3A_216 = arith.constant 16 : i32
      %mul3A_217 = arith.muli %add3A_215, %mul3A_216 : i32
      %add3A_218 = arith.constant 12288 : i32
      %add3A_219 = arith.addi %add3A_218, %mul3A_217 : i32
      %get3A = arith.index_cast %add3A_219 : i32 to index
      %get3A_220 = tpu.vector_load %arg7[%get3A] {strides = array<i32>} : memref<16384xi32, #tpu.memory_space<vmem>>, vector<16xi32>,
      %gather3A = tpu.vector_load_idx %arg6[%get3A_220] : memref<100000xf32, #tpu.memory_space<vmem>>[vector<16xi32>], vector<16xf32>,
      %get3A_221 = arith.index_cast %mul3A_217 : i32 to index
      %get3A_222 = tpu.vector_load %arg9[%get3A_221] {strides = array<i32>} : memref<4096xf32, #tpu.memory_space<vmem>>, vector<16xf32>,
      %sub3A = arith.subf %get3A_222, %gather3A : vector<16xf32>
      %mul3A_223 = arith.mulf %sub3A, %sub3A : vector<16xf32>
      %add3A_224 = arith.addf %scan3A_204, %mul3A_223 : vector<16xf32>
      %mul3A_225 = arith.constant 8 : i32
      %mul3A_226 = arith.muli %scan3A_203, %mul3A_225 : i32
      %add3A_227 = arith.constant 1 : i32
      %add3A_228 = arith.addi %mul3A_226, %add3A_227 : i32
      %mul3A_229 = arith.constant 16 : i32
      %mul3A_230 = arith.muli %add3A_228, %mul3A_229 : i32
      %add3A_231 = arith.constant 12288 : i32
      %add3A_232 = arith.addi %add3A_231, %mul3A_230 : i32
      %get3A_233 = arith.index_cast %add3A_232 : i32 to index
      %get3A_234 = tpu.vector_load %arg7[%get3A_233] {strides = array<i32>} : memref<16384xi32, #tpu.memory_space<vmem>>, vector<16xi32>,
      %gather3A_235 = tpu.vector_load_idx %arg6[%get3A_234] : memref<100000xf32, #tpu.memory_space<vmem>>[vector<16xi32>], vector<16xf32>,
      %get3A_236 = arith.index_cast %mul3A_230 : i32 to index
      %get3A_237 = tpu.vector_load %arg9[%get3A_236] {strides = array<i32>} : memref<4096xf32, #tpu.memory_space<vmem>>, vector<16xf32>,
      %sub3A_238 = arith.subf %get3A_237, %gather3A_235 : vector<16xf32>
      %mul3A_239 = arith.mulf %sub3A_238, %sub3A_238 : vector<16xf32>
      %add3A_240 = arith.addf %scan3A_205, %mul3A_239 : vector<16xf32>
      %mul3A_241 = arith.constant 8 : i32
      %mul3A_242 = arith.muli %scan3A_203, %mul3A_241 : i32
      %add3A_243 = arith.constant 2 : i32
      %add3A_244 = arith.addi %mul3A_242, %add3A_243 : i32
      %mul3A_245 = arith.constant 16 : i32
      %mul3A_246 = arith.muli %add3A_244, %mul3A_245 : i32
      %add3A_247 = arith.constant 12288 : i32
      %add3A_248 = arith.addi %add3A_247, %mul3A_246 : i32
      %get3A_249 = arith.index_cast %add3A_248 : i32 to index
      %get3A_250 = tpu.vector_load %arg7[%get3A_249] {strides = array<i32>} : memref<16384xi32, #tpu.memory_space<vmem>>, vector<16xi32>,
      %gather3A_251 = tpu.vector_load_idx %arg6[%get3A_250] : memref<100000xf32, #tpu.memory_space<vmem>>[vector<16xi32>], vector<16xf32>,
      %get3A_252 = arith.index_cast %mul3A_246 : i32 to index
      %get3A_253 = tpu.vector_load %arg9[%get3A_252] {strides = array<i32>} : memref<4096xf32, #tpu.memory_space<vmem>>, vector<16xf32>,
      %sub3A_254 = arith.subf %get3A_253, %gather3A_251 : vector<16xf32>
      %mul3A_255 = arith.mulf %sub3A_254, %sub3A_254 : vector<16xf32>
      %add3A_256 = arith.addf %scan3A_206, %mul3A_255 : vector<16xf32>
      %mul3A_257 = arith.constant 8 : i32
      %mul3A_258 = arith.muli %scan3A_203, %mul3A_257 : i32
      %add3A_259 = arith.constant 3 : i32
      %add3A_260 = arith.addi %mul3A_258, %add3A_259 : i32
      %mul3A_261 = arith.constant 16 : i32
      %mul3A_262 = arith.muli %add3A_260, %mul3A_261 : i32
      %add3A_263 = arith.constant 12288 : i32
      %add3A_264 = arith.addi %add3A_263, %mul3A_262 : i32
      %get3A_265 = arith.index_cast %add3A_264 : i32 to index
      %get3A_266 = tpu.vector_load %arg7[%get3A_265] {strides = array<i32>} : memref<16384xi32, #tpu.memory_space<vmem>>, vector<16xi32>,
      %gather3A_267 = tpu.vector_load_idx %arg6[%get3A_266] : memref<100000xf32, #tpu.memory_space<vmem>>[vector<16xi32>], vector<16xf32>,
      %get3A_268 = arith.index_cast %mul3A_262 : i32 to index
      %get3A_269 = tpu.vector_load %arg9[%get3A_268] {strides = array<i32>} : memref<4096xf32, #tpu.memory_space<vmem>>, vector<16xf32>,
      %sub3A_270 = arith.subf %get3A_269, %gather3A_267 : vector<16xf32>
      %mul3A_271 = arith.mulf %sub3A_270, %sub3A_270 : vector<16xf32>
      %add3A_272 = arith.addf %scan3A_207, %mul3A_271 : vector<16xf32>
      %mul3A_273 = arith.constant 8 : i32
      %mul3A_274 = arith.muli %scan3A_203, %mul3A_273 : i32
      %add3A_275 = arith.constant 4 : i32
      %add3A_276 = arith.addi %mul3A_274, %add3A_275 : i32
      %mul3A_277 = arith.constant 16 : i32
      %mul3A_278 = arith.muli %add3A_276, %mul3A_277 : i32
      %add3A_279 = arith.constant 12288 : i32
      %add3A_280 = arith.addi %add3A_279, %mul3A_278 : i32
      %get3A_281 = arith.index_cast %add3A_280 : i32 to index
      %get3A_282 = tpu.vector_load %arg7[%get3A_281] {strides = array<i32>} : memref<16384xi32, #tpu.memory_space<vmem>>, vector<16xi32>,
      %gather3A_283 = tpu.vector_load_idx %arg6[%get3A_282] : memref<100000xf32, #tpu.memory_space<vmem>>[vector<16xi32>], vector<16xf32>,
      %get3A_284 = arith.index_cast %mul3A_278 : i32 to index
      %get3A_285 = tpu.vector_load %arg9[%get3A_284] {strides = array<i32>} : memref<4096xf32, #tpu.memory_space<vmem>>, vector<16xf32>,
      %sub3A_286 = arith.subf %get3A_285, %gather3A_283 : vector<16xf32>
      %mul3A_287 = arith.mulf %sub3A_286, %sub3A_286 : vector<16xf32>
      %add3A_288 = arith.addf %scan3A_208, %mul3A_287 : vector<16xf32>
      %mul3A_289 = arith.constant 8 : i32
      %mul3A_290 = arith.muli %scan3A_203, %mul3A_289 : i32
      %add3A_291 = arith.constant 5 : i32
      %add3A_292 = arith.addi %mul3A_290, %add3A_291 : i32
      %mul3A_293 = arith.constant 16 : i32
      %mul3A_294 = arith.muli %add3A_292, %mul3A_293 : i32
      %add3A_295 = arith.constant 12288 : i32
      %add3A_296 = arith.addi %add3A_295, %mul3A_294 : i32
      %get3A_297 = arith.index_cast %add3A_296 : i32 to index
      %get3A_298 = tpu.vector_load %arg7[%get3A_297] {strides = array<i32>} : memref<16384xi32, #tpu.memory_space<vmem>>, vector<16xi32>,
      %gather3A_299 = tpu.vector_load_idx %arg6[%get3A_298] : memref<100000xf32, #tpu.memory_space<vmem>>[vector<16xi32>], vector<16xf32>,
      %get3A_300 = arith.index_cast %mul3A_294 : i32 to index
      %get3A_301 = tpu.vector_load %arg9[%get3A_300] {strides = array<i32>} : memref<4096xf32, #tpu.memory_space<vmem>>, vector<16xf32>,
      %sub3A_302 = arith.subf %get3A_301, %gather3A_299 : vector<16xf32>
      %mul3A_303 = arith.mulf %sub3A_302, %sub3A_302 : vector<16xf32>
      %add3A_304 = arith.addf %scan3A_209, %mul3A_303 : vector<16xf32>
      %mul3A_305 = arith.constant 8 : i32
      %mul3A_306 = arith.muli %scan3A_203, %mul3A_305 : i32
      %add3A_307 = arith.constant 6 : i32
      %add3A_308 = arith.addi %mul3A_306, %add3A_307 : i32
      %mul3A_309 = arith.constant 16 : i32
      %mul3A_310 = arith.muli %add3A_308, %mul3A_309 : i32
      %add3A_311 = arith.constant 12288 : i32
      %add3A_312 = arith.addi %add3A_311, %mul3A_310 : i32
      %get3A_313 = arith.index_cast %add3A_312 : i32 to index
      %get3A_314 = tpu.vector_load %arg7[%get3A_313] {strides = array<i32>} : memref<16384xi32, #tpu.memory_space<vmem>>, vector<16xi32>,
      %gather3A_315 = tpu.vector_load_idx %arg6[%get3A_314] : memref<100000xf32, #tpu.memory_space<vmem>>[vector<16xi32>], vector<16xf32>,
      %get3A_316 = arith.index_cast %mul3A_310 : i32 to index
      %get3A_317 = tpu.vector_load %arg9[%get3A_316] {strides = array<i32>} : memref<4096xf32, #tpu.memory_space<vmem>>, vector<16xf32>,
      %sub3A_318 = arith.subf %get3A_317, %gather3A_315 : vector<16xf32>
      %mul3A_319 = arith.mulf %sub3A_318, %sub3A_318 : vector<16xf32>
      %add3A_320 = arith.addf %scan3A_210, %mul3A_319 : vector<16xf32>
      %mul3A_321 = arith.constant 8 : i32
      %mul3A_322 = arith.muli %scan3A_203, %mul3A_321 : i32
      %add3A_323 = arith.constant 7 : i32
      %add3A_324 = arith.addi %mul3A_322, %add3A_323 : i32
      %mul3A_325 = arith.constant 16 : i32
      %mul3A_326 = arith.muli %add3A_324, %mul3A_325 : i32
      %add3A_327 = arith.constant 12288 : i32
      %add3A_328 = arith.addi %add3A_327, %mul3A_326 : i32
      %get3A_329 = arith.index_cast %add3A_328 : i32 to index
      %get3A_330 = tpu.vector_load %arg7[%get3A_329] {strides = array<i32>} : memref<16384xi32, #tpu.memory_space<vmem>>, vector<16xi32>,
      %gather3A_331 = tpu.vector_load_idx %arg6[%get3A_330] : memref<100000xf32, #tpu.memory_space<vmem>>[vector<16xi32>], vector<16xf32>,
      %get3A_332 = arith.index_cast %mul3A_326 : i32 to index
      %get3A_333 = tpu.vector_load %arg9[%get3A_332] {strides = array<i32>} : memref<4096xf32, #tpu.memory_space<vmem>>, vector<16xf32>,
      %sub3A_334 = arith.subf %get3A_333, %gather3A_331 : vector<16xf32>
      %mul3A_335 = arith.mulf %sub3A_334, %sub3A_334 : vector<16xf32>
      %add3A_336 = arith.addf %scan3A_211, %mul3A_335 : vector<16xf32>
      scf.yield %add3A_224, %add3A_240, %add3A_256, %add3A_272, %add3A_288, %add3A_304, %add3A_320, %add3A_336 : vector<16xf32>, vector<16xf32>, vector<16xf32>, vector<16xf32>, vector<16xf32>, vector<16xf32>, vector<16xf32>, vector<16xf32>
    }
    %scan3A_194 = arith.constant 32 : i32
    %add3A_195 = arith.addf %scan3A_193#0, %scan3A_193#1 : vector<16xf32>
    %add3A_196 = arith.addf %add3A_195, %scan3A_193#2 : vector<16xf32>
    %add3A_197 = arith.addf %add3A_196, %scan3A_193#3 : vector<16xf32>
    %add3A_198 = arith.addf %add3A_197, %scan3A_193#4 : vector<16xf32>
    %add3A_199 = arith.addf %add3A_198, %scan3A_193#5 : vector<16xf32>
    %add3A_200 = arith.addf %add3A_199, %scan3A_193#6 : vector<16xf32>
    %add3A_201 = arith.addf %add3A_200, %scan3A_193#7 : vector<16xf32>
    %swap3A = arith.constant 0 : index
    %swap3A_202 = tpu.vector_load %arg10[%swap3A] {strides = array<i32>} : memref<16xf32, #tpu.memory_space<vmem>>, vector<16xf32>,
    tpu.vector_store %arg10[%swap3A], %add3A_201 {strides = array<i32>} : memref<16xf32, #tpu.memory_space<vmem>>, vector<16xf32>,
    "tpu.region"() ({
      %run_scoped3A = tpu.sem_alloc : memref<!tpu.dma_semaphore, #tpu.memory_space<semaphore_mem>>
      %dma_start3A_203 = arith.constant 0 : i32
      %dma_start3A_204 = tpu.memref_slice %arg5[%add3A, %dma_start3A_203] : memref<32x16xf32, #tpu.memory_space<hbm>> -> memref<1x16xf32, #tpu.memory_space<hbm>>
      %dma_start3A_205 = tpu.memref_squeeze %dma_start3A_204 : memref<1x16xf32, #tpu.memory_space<hbm>> -> memref<16xf32, #tpu.memory_space<hbm>>
      %dma_start3A_206 = arith.constant 0 : i32
      %dma_start3A_207 = tpu.memref_slice %arg5[%add3A, %dma_start3A_206] : memref<32x16xf32, #tpu.memory_space<hbm>> -> memref<1x16xf32, #tpu.memory_space<hbm>>
      %dma_start3A_208 = tpu.memref_squeeze %dma_start3A_207 : memref<1x16xf32, #tpu.memory_space<hbm>> -> memref<16xf32, #tpu.memory_space<hbm>>
      tpu.enqueue_dma source(%arg10 : memref<16xf32, #tpu.memory_space<vmem>>) target(%dma_start3A_208 : memref<16xf32, #tpu.memory_space<hbm>>) target_semaphore(%run_scoped3A : memref<!tpu.dma_semaphore, #tpu.memory_space<semaphore_mem>>)
      %dma_wait3A_209 = arith.constant 0 : i32
      %dma_wait3A_210 = tpu.memref_slice %arg5[%add3A, %dma_wait3A_209] : memref<32x16xf32, #tpu.memory_space<hbm>> -> memref<1x16xf32, #tpu.memory_space<hbm>>
      %dma_wait3A_211 = tpu.memref_squeeze %dma_wait3A_210 : memref<1x16xf32, #tpu.memory_space<hbm>> -> memref<16xf32, #tpu.memory_space<hbm>>
      %dma_wait3A_212 = arith.constant 0 : i32
      %dma_wait3A_213 = tpu.memref_slice %arg5[%add3A, %dma_wait3A_212] : memref<32x16xf32, #tpu.memory_space<hbm>> -> memref<1x16xf32, #tpu.memory_space<hbm>>
      %dma_wait3A_214 = tpu.memref_squeeze %dma_wait3A_213 : memref<1x16xf32, #tpu.memory_space<hbm>> -> memref<16xf32, #tpu.memory_space<hbm>>
      tpu.wait_dma2 semaphore(%run_scoped3A : memref<!tpu.dma_semaphore, #tpu.memory_space<semaphore_mem>>) src(%arg10 : memref<16xf32, #tpu.memory_space<vmem>>) dst(%dma_wait3A_214 : memref<16xf32, #tpu.memory_space<hbm>>)
      tpu.yield
    }) : () -> ()
    return
  }
}

</mosaic_0001>

<sc_bundles>
// kernel: kernel.3.cloned.1.call-start
scs
__scs_entry_jumppad:
0x0: {  	(pc) =	sbr.rel $0x88, $3  }
0x1: {  	(tag) =	ssettag $0x0;
	lr =	simm.s32 $0x1  }
0x2: {  	[smem:$0x3F9E] =	sst lr;
	_ =	strace $0xD0000000  }
0x3: {  	_ = 	snop  }
0x4: {  	_ = 	snop  }
0x5: {  	_ = 	snop  }
0x6: {  	_ = 	snop  }
0x7: {  	_ = 	snop  }
__scs_overlays_trampoline_lowered:
0x8: {  	[smem:$0x3FAD] =	sst s0  }
0x9: {  	[smem:$0x3FAE] =	sst s1  }
0xa: {  	[smem:$0x3FAF] =	sst s2  }
0xb: {  	[smem:$0x3FB0] =	sst s3  }
0xc: {  	[smem:$0x3FB1] =	sst s4  }
0xd: {  	[smem:$0x3FB2] =	sst s5  }
0xe: {  	[smem:$0x3FB3] =	sst s6  }
0xf: {  	[smem:$0x3FB4] =	sst s7  }
0x10: {  	[smem:$0x3FB5] =	sst s8  }
0x11: {  	[smem:$0x3FB6] =	sst s9;
	s0 =	simm.s32 @!p0 $0x0  }
0x12: {  	s1 =	sld [smem:$0x3F9C];
	s0 =	simm.s32 @p0 $0x1  }
0x13: {  	[smem:$0x3FB7] =	sst s0;
	s0 =	simm.s32 @!p1 $0x0  }
0x14: {  	s2 =	sld [smem:$0x3F9B];
	s0 =	simm.s32 @p1 $0x1  }
0x15: {  	[smem:$0x3FB8] =	sst s0;
	s0 =	simm.s32 @!p2 $0x0  }
0x16: {  	s3 =	sld [smem:$0x3FDB];
	s0 =	simm.s32 @p2 $0x1  }
0x17: {  	s4 =	simm.s32 $0x1BF5;
	[smem:$0x3FBA] =	sst s0  }
0x18: {  	s0 =	sld [smem:$0x3F9D];
	_ =	swait.ge [sflag:s4], $0x0  }
0x19: {  	s7 =	sld [smem:$0x3F9E]  }
0x1a: {  	s8 =	sadd.s32 $0xFFFFE003, lr  }
0x1b: {  	s9 =	sadd.s32 $0xFFFFFEF7, lr;
	s5 =	simm.s32 $0xFFFFFFFF;
	p2 =	slt.u32 s8, $0xFFFFF086  }
0x1c: {  	p1 =	slt.u32 s9, $0xF7A;
	s5 =	simm.s32 @!p2 $0x0  }
0x1d: {  	s5 =	simm.s32 @p1 $0x1;
	p0 =	seq.s32 s7, s2  }
0x1e: {  	s7 =	smul.u32 @!p0 $0xF7A, s2;
	p2 =	seq.s32 @!p0 s5, $0x0  }
0x1f: {  	s9 =	smul.u32 $0xF7A, s1;
	s8 =	simm.s32 @!p0 $0x1BF5;
	p2 =	por !p2, p0  }
0x20: {  	[sflag:s8] =	ssyncset.s32 @!p0 $0xFFFFF086;
	s6 =	sadd.s32 @!p0 s3, s7;
	s7 =	simm.s32 @!p0 $0x108  }
0x21: {  	s3 =	sadd.s32 s3, s9;
	s6 =	sadd.s32 @!p0 $0x88, s6;
	s7 =	simm.s32 @p2 $0x1082  }
0x22: {  	[simem:s7], [sflag:s8] =	dma.local @!p0 [hbm:s6], $0xF7A  }
0x23: {  	s9 =	sor.u32 $0xD0000000, s2;
	s6 =	simm.s32 $0x108;
	_ =	swait.ge @!p0 [sflag:s8], $0x0  }
0x24: {  	s3 =	sadd.s32 $0x88, s3;
	s6 =	simm.s32 @!p1 $0x1082;
	[sflag:s4] =	ssyncset.s32 $0xFFFFF086  }
0x25: {  	[simem:s6], [sflag:s4] =	dma.local [hbm:s3], $0xF7A  }
0x26: {  	[smem:$0x3F9E] =	sst s1;
	(tag) =	ssettag s2;
	_ =	strace s9  }
0x27: {  	s1 =	sld [smem:$0x3FAE]  }
0x28: {  	s2 =	sld [smem:$0x3FAF]  }
0x29: {  	s4 =	sld [smem:$0x3FB1]  }
0x2a: {  	p0 =	seq.s32 s5, $0x0;
	s5 =	sld [smem:$0x3FB2]  }
0x2b: {  	s6 =	sld [smem:$0x3FB3]  }
0x2c: {  	s7 =	sld [smem:$0x3FB4]  }
0x2d: {  	s3 =	simm.s32 $0x108;
	s8 =	sld [smem:$0x3FB5]  }
0x2e: {  	s3 =	simm.s32 @!p0 $0x1082;
	s9 =	sld [smem:$0x3FB6]  }
0x2f: {  	lr =	sadd.s32 s0, s3;
	s0 =	sld [smem:$0x3FAD]  }
0x30: {  	s3 =	sld [smem:$0x3FB0]  }
0x31: {  	[smem:$0x3FB9] =	sst s10  }
0x32: {  	s10 =	sld [smem:$0x3FB7];
	_ =	sdelay $0x3  }
0x33: {  	p0 =	seq.s32 s10, $0x1;
	s10 =	sld [smem:$0x3FB9];
	_ =	sdelay $0x3  }
0x34: {  	[smem:$0x3FB9] =	sst s10  }
0x35: {  	s10 =	sld [smem:$0x3FB8];
	_ =	sdelay $0x3  }
0x36: {  	p1 =	seq.s32 s10, $0x1;
	s10 =	sld [smem:$0x3FB9];
	_ =	sdelay $0x3  }
0x37: {  	[smem:$0x3FB9] =	sst s10  }
0x38: {  	s10 =	sld [smem:$0x3FBA]  }
0x39: {  	_ = 	snop;
	(pc) =	sbr.ind lr, $3  }
0x3a: {  	_ = 	snop  }
0x3b: {  	_ = 	snop  }
0x3c: {  	p2 =	seq.s32 s10, $0x1;
	s10 =	sld [smem:$0x3FB9]  }
0x3d: {  	_ =	shalt  }
0x3e: {  	_ =	shalt  }
0x3f: {  	_ =	shalt  }
0x40: {  	_ =	shalt  }
0x41: {  	_ =	shalt  }
0x42: {  	_ =	shalt  }
0x43: {  	_ =	shalt  }
0x44: {  	_ =	shalt  }
0x45: {  	_ =	shalt  }
0x46: {  	_ =	shalt  }
0x47: {  	_ =	shalt  }
0x48: {  	_ =	shalt  }
0x49: {  	_ =	shalt  }
0x4a: {  	_ =	shalt  }
0x4b: {  	_ =	shalt  }
0x4c: {  	_ =	shalt  }
0x4d: {  	_ =	shalt  }
0x4e: {  	_ =	shalt  }
0x4f: {  	_ =	shalt  }
0x50: {  	_ =	shalt  }
0x51: {  	_ =	shalt  }
0x52: {  	_ =	shalt  }
0x53: {  	_ =	shalt  }
0x54: {  	_ =	shalt  }
0x55: {  	_ =	shalt  }
0x56: {  	_ =	shalt  }
0x57: {  	_ =	shalt  }
0x58: {  	_ =	shalt  }
0x59: {  	_ =	shalt  }
0x5a: {  	_ =	shalt  }
0x5b: {  	_ =	shalt  }
0x5c: {  	_ =	shalt  }
0x5d: {  	_ =	shalt  }
0x5e: {  	_ =	shalt  }
0x5f: {  	_ =	shalt  }
0x60: {  	_ =	shalt  }
0x61: {  	_ =	shalt  }
0x62: {  	_ =	shalt  }
0x63: {  	_ =	shalt  }
0x64: {  	_ =	shalt  }
0x65: {  	_ =	shalt  }
0x66: {  	_ =	shalt  }
0x67: {  	_ =	shalt  }
0x68: {  	_ =	shalt  }
0x69: {  	_ =	shalt  }
0x6a: {  	_ =	shalt  }
0x6b: {  	_ =	shalt  }
0x6c: {  	_ =	shalt  }
0x6d: {  	_ =	shalt  }
0x6e: {  	_ =	shalt  }
0x6f: {  	_ =	shalt  }
0x70: {  	_ =	shalt  }
0x71: {  	_ =	shalt  }
0x72: {  	_ =	shalt  }
0x73: {  	_ =	shalt  }
0x74: {  	_ =	shalt  }
0x75: {  	_ =	shalt  }
0x76: {  	_ =	shalt  }
0x77: {  	_ =	shalt  }
0x78: {  	_ =	shalt  }
0x79: {  	_ =	shalt  }
0x7a: {  	_ =	shalt  }
0x7b: {  	_ =	shalt  }
0x7c: {  	_ =	shalt  }
0x7d: {  	_ =	shalt  }
0x7e: {  	_ =	shalt  }
0x7f: {  	_ =	shalt  }
0x80: {  	_ =	shalt  }
0x81: {  	_ =	shalt  }
0x82: {  	_ =	shalt  }
0x83: {  	_ =	shalt  }
0x84: {  	_ =	shalt  }
0x85: {  	_ =	shalt  }
0x86: {  	_ =	shalt  }
0x87: {  	_ =	shalt  }
.Lfunc_end0:
.L_simem_size_0:
called_computation_lowered:
.L_overlay_start_0:
0x88: {  	s2 =	sld [smem:$0x3FD9]  }
0x89: {  	s3 =	sld [smem:$0x3FFE];
	_ =	sdelay $0x1  }
0x8a: {  	s1 =	srdreg.scid  }
0x8b: {  	s0 =	sand.u32 $0x1, s1  }
0x8c: {  	s17 =	sshll.u32 s0, $0xA;
	s2 =	sadd.s32 s3, s2  }
0x8d: {  	s2 =	sadd.s32 s2, s17  }
0x8e: {  	[smem:$0x3FC5] =	sst s2  }
0x8f: {  	_ = 	snop  }
0x90: {  	s2 =	sld [smem:$0x3FC9]  }
0x91: {  	s18 =	sld [smem:$0x3FC8]  }
0x92: {  	s4 =	sld [smem:$0x3FC7];
	(tm) =	ssettm $0x1  }
0x93: {  	s5 =	sld [smem:$0x3FFB];
	_ =	sdelay $0x3  }
0x94: {  	_ =	strace s5  }
0x95: {  	s5 =	sld [smem:$0x3FFC];
	_ =	sdelay $0x3  }
0x96: {  	_ =	strace s5  }
0x97: {  	s5 =	sld [smem:$0x3FFD];
	_ =	sdelay $0x3  }
0x98: {  	_ =	strace s5  }
0x99: {  	_ =	strace $0x8FFFFFFF  }
0x9a: {  	s19 =	sld [smem:$0x3FDB];
	_ =	sdelay $0x1  }
0x9b: {  	s6 =	simm.s32 $_scs_section_size  }
0x9c: {  	s7 =	simm.s32 $_size__tile_overlayer_lowered;
	s8 =	simm.s32 $_tile_overlayer_lowered  }
0x9d: {  	s22 =	simm.s32 $0x1BFF;
	s21 =	sshll.u32 s8, $0x1;
	s5 =	sadd.s32 s6, s19  }
0x9e: {  	s9 =	simm.s32 $0x0;
	s20 =	sshll.u32 s7, $0x1;
	s7 =	sadd.s32 s21, s5  }
0x9f: {  	[timem:s9], [sflag:s22] =	dma.local [hbm:s7], s20  }
0xa0: {  	_ =	swait.ge [sflag:s22], s20  }
0xa1: {  	s6 =	ssub.s32 $0x0, s20;
	[sflag:s22] =	ssyncset.done $0x0  }
0xa2: {  	[sflag:s22] =	ssyncadd.s32 s6;
	_ =	sdelay $0x1  }
0xa3: {  	s23 =	simm.s32 $0x1B8B  }
0xa4: {  	_ =	swait.ge [sflag:s23], $0x1  }
0xa5: {  	[sflag:s23] =	ssyncset.done $0x0  }
0xa6: {  	s25 =	simm.s32 $0x1B8E;
	s24 =	sld [smem:$0x3FFE];
	[sflag:s23] =	ssyncadd.s32 $0xFFFFFFFF  }
0xa7: {  	s26 =	simm.s32 $execute0_lowered;
	[smem:$0x3FD2] =	sst s25  }
0xa8: {  	s7 =	sshll.u32 s26, $0x1;
	_ =	strace $0x80000046;
	[dreg:$0x1] =	wrdreg $0xFFFFFFFF  }
0xa9: {  	s28 =	simm.s32 $_size_execute0_lowered;
	s5 =	sadd.s32 s5, s7;
	[dreg:$0x0] =	wrdreg $0x0  }
0xaa: {  	s7 =	sshll.u32 s28, $0x1;
	[dreg:$0x2] =	wrdreg s5  }
0xab: {  	[dreg:$0x3] =	wrdreg s7  }
0xac: {  	[dreg:$0x4] =	wrdreg $0xC0  }
0xad: {  	_ =	task [dreg:s9], $0x5FFFF  }
0xae: {  	[dreg:$0x1] =	wrdreg $0xFFFFFFFF  }
0xaf: {  	[dreg:$0x0] =	wrdreg $0x60  }
0xb0: {  	[dreg:$0x2] =	wrdreg s2  }
0xb1: {  	[dreg:$0x3] =	wrdreg s18  }
0xb2: {  	[dreg:$0x4] =	wrdreg s4  }
0xb3: {  	[dreg:$0x5] =	wrdreg s24  }
0xb4: {  	[dreg:$0x6] =	wrdreg $0x9  }
0xb5: {  	_ =	task.clear_ibuf [dreg:s9], $0x7FFFF;
	_ =	strace $0x90000046  }
0xb6: {  	s29 =	simm.s32 $0x9;
	_ =	strace $0x80000048  }
0xb7: {  	_ =	swait.ge [sflag:s29], $0x1  }
0xb8: {  	[sflag:s29] =	ssyncadd.s32 $0xFFFFFFFF  }
0xb9: {  	_ =	strace $0x90000048  }
0xba: {  	_ =	sfence  }
0xbb: {  	s30 =	sld [smem:$0x0];
	_ =	sdelay $0x2  }
0xbc: {  	s31 =	sshll.u32 s1, $0xD;
	s1 =	sshrl.u32 s1, $0x2  }
0xbd: {  	s3 =	sand.u32 $0x4000, s31;
	s1 =	sadd.s32 s1, s30  }
0xbe: {  	s0 =	sor.u32 s3, s0;
	s1 =	sshll.u32 s1, $0x11  }
0xbf: {  	s0 =	sor.u32 s1, s0  }
0xc0: {  	s0 =	sadd.s32 $0x8F2B, s0  }
0xc1: {  	[sflag:s0] =	ssyncadd.remote.s32 $0x1  }
0xc2: {  	_ =	sfence.sel $0xFFFF  }
0xc3: {  	[dreg:$0x0] =	wrdreg $0xFFFFFFFF;
	(pc) =	sbr.abs _section_cstart, $3  }
0xc4: {  	[dreg:$0x1] =	wrdreg $0xFFFFFFFF  }
0xc5: {  	_ =	task.clear_ibuf [dreg:s9], $0x2FFFF;
	_ =	strace $0x9FFFFFFF  }
0xc6: {  	(tm) =	ssettm $0x7FFFFFFF  }
0xc7: {  	_ =	shalt  }
tec
execute0_lowered:
.L_overlay_start_1:
0x0: {  	(tag) =	ssettag $0x1  }
0x1: {  	s10 =	rddreg [dreg:$0x0]  }
0x2: {  	s0 =	rddreg [dreg:$0x1]  }
0x3: {  	s1 =	srdreg.scid;
	s9 =	rddreg [dreg:$0x2]  }
0x4: {  	s12 =	rddreg [dreg:$0x3];
	s2 =	stileid.u32;
	s3 =	simm.s32 $0x0  }
0x5: {  	s21 =	simm.s32 $0x1;
	s22 =	simm.s32 $0x2;
	s23 =	simm.s32 $0x1D700  }
0x6: {  	s24 =	simm.s32 $0x3;
	s4 =	sand.u32 $0x1, s1;
	s1 =	rddreg [dreg:$0x4]  }
0x7: {  	[smem:$0x7FF] =	sst s3;
	s6 =	sshll.u32 s2, $0x8;
	s16 =	sadd.s32 $0x1000, s10  }
0x8: {  	s17 =	sadd.s32 $0x2000, s10;
	s19 =	sadd.s32 $0x3000, s10;
	s29 =	sshll.u32 s2, $0x4  }
0x9: {  	s5 =	sshll.u32 s4, $0x4;
	_ =	strace $0x80000047;
	s4 =	ssub.s32 $0x2, s4  }
0xa: {  	s7 =	sand.u32 $0x300, s6;
	s11 =	sor.u32 s2, s5;
	s25 =	sshrl.u32 s4, $0x1  }
0xb: {  	s18 =	sor.u32 $0x80, s7;
	s5 =	sshrl.u32 s11, $0x2;
	s15 =	ssub.s32 s4, s25  }
0xc: {  	s30 =	sshll.u32 s11, $0x4;
	s25 =	simm.s32 $0x1E700;
	s8 =	smul.u32 $0xC3800, s5  }
0xd: {  	s13 =	sshll.u32 s5, $0x11;
	s31 =	sand.u32 $0x180, s30;
	s15 =	smax.u32 s15, $0x1  }
0xe: {  	s14 =	sor.u32 s7, s13;
	s13 =	sor.u32 s18, s13;
	s6 =	sor.u32 s7, s8  }
0xf: {  	s14 =	sshrl.u32 s14, $0x3;
	s20 =	sor.u32 s18, s8;
	s13 =	sshrl.u32 s13, $0x3  }
0x10: {  	s18 =	simm.s32 $0x1C700;
	s26 =	sshrl.u32 s6, $0x3;
	s5 =	sadd.s32 s10, s14  }
0x11: {  	s6 =	sadd.s32 s14, s16;
	s7 =	sadd.s32 s14, s17;
	s8 =	sadd.s32 s14, s19  }
0x12: {  	s28 =	sshrl.u32 s20, $0x3;
	s10 =	sadd.s32 s10, s13;
	s14 =	sand.u32 $0x70, s29  }
0x13: {  	s11 =	sadd.s32 s13, s16;
	s16 =	simm.s32 $0x80;
	s20 =	simm.s32 $0x4  }
0x14: {  	s4 =	sadd.s32 s9, s26;
	s9 =	sadd.s32 s9, s28;
	s14 =	sadd.s32 s12, s14  }
0x15: {  	s12 =	sadd.s32 s13, s17;
	s13 =	sadd.s32 s13, s19;
	s17 =	simm.s32 $0x400  }
0x16: {  	s19 =	simm.s32 $0x18700;
	s26 =	simm.s32 $0x0;
	s14 =	sadd.s32 s31, s14  }
.LBB2_1:
0x17: {  	[tilespmem:s3], [sflag:$0x1] =	stream.strided.gather [hbm4b:s4+s16], $0x18700, s17, s16, $0x38;
	[tilespmem:$0x1E780] =	vst v63  }
0x18: {  	_ = 	snop  }
0x19: {  	[tilespmem:s18], [sflag:$0x2] =	stream.strided.gather [hbm4b:s5+s16], $0x1000, s17, s16, $0x38;
	[tilespmem:$0x1E780] =	vst v63  }
0x1a: {  	_ = 	snop  }
0x1b: {  	[tilespmem:s19], [sflag:$0x4] =	stream.linear.gather [hbm4b:s0+s3], $0x4000, $0x38;
	[tilespmem:$0x1E780] =	vst v63  }
0x1c: {  	_ =	swait.ge [sflag:s20], $0x4000  }
0x1d: {  	[sflag:s20] =	ssyncset.done $0x0  }
0x1e: {  	[sflag:s20] =	ssyncadd.s32 $0xFFFFC000  }
0x1f: {  	_ =	swait.ge [sflag:s21], $0x18700  }
0x20: {  	[sflag:s21] =	ssyncset.done $0x0  }
0x21: {  	[sflag:s21] =	ssyncadd.s32 $0xFFFE7900  }
0x22: {  	_ =	swait.ge [sflag:s22], $0x1000  }
0x23: {  	[sflag:s22] =	ssyncset.done $0x0  }
0x24: {  	s30 =	simm.s32 $0x0;
	[sflag:s22] =	ssyncadd.s32 $0xFFFFF000  }
0x25: {  	[tilespmem:s23], [sflag:$0x3] =	stream.strided.gather [hbm4b:s6+s16], $0x1000, s17, s16, $0x38;
	[tilespmem:$0x1E780] =	vst v63  }
0x26: {  	v0 =	vld [tilespmem:s30+$0x18770]  }
0x27: {  	v1 =	vld [tilespmem:s30+$0x18700]  }
0x28: {  	v2 =	vld [tilespmem:s30+$0x18710]  }
0x29: {  	v3 =	vld [tilespmem:s30+$0x18720]  }
0x2a: {  	v4 =	vld [tilespmem:s30+$0x18730]  }
0x2b: {  	v5 =	vld [tilespmem:s30+$0x18740]  }
0x2c: {  	v6 =	vld [tilespmem:s30+$0x18750]  }
0x2d: {  	v7 =	vld [tilespmem:s30+$0x18760]  }
0x2e: {  	v8 =	vld [tilespmem:s30+$0x1C770]  }
0x2f: {  	v17 =	vld [tilespmem:s30+$0x1C720]  }
0x30: {  	v0 =	vld.idx.msk [tilespmem:v0+s3+$0x0], $0xffff  }
0x31: {  	v1 =	vld.idx.msk [tilespmem:v1+s3+$0x0], $0xffff  }
0x32: {  	v2 =	vld.idx.msk [tilespmem:v2+s3+$0x0], $0xffff  }
0x33: {  	v12 =	vld.idx.msk [tilespmem:v3+s3+$0x0], $0xffff  }
0x34: {  	v11 =	vld.idx.msk [tilespmem:v4+s3+$0x0], $0xffff  }
0x35: {  	v3 =	vld [tilespmem:s30+$0x1C700]  }
0x36: {  	v4 =	vld [tilespmem:s30+$0x1C710]  }
0x37: {  	v16 =	vld [tilespmem:s30+$0x1C730]  }
0x38: {  	v15 =	vld [tilespmem:s30+$0x1C740]  }
0x39: {  	v10 =	vld.idx.msk [tilespmem:v5+s3+$0x0], $0xffff;
	v0 =	vsub.f32 v8, v0  }
0x3a: {  	v9 =	vld.idx.msk [tilespmem:v6+s3+$0x0], $0xffff;
	v5 =	vimm.f32 $0.0e+00;
	v6 =	vimm.f32 $0.0e+00  }
0x3b: {  	v14 =	vld [tilespmem:s30+$0x1C750];
	v19 =	vsub.f32 v3, v1;
	v18 =	vsub.f32 v4, v2;
	v0 =	vmul.f32 v0, v0  }
0x3c: {  	v8 =	vld.idx.msk [tilespmem:v7+s3+$0x0], $0xffff;
	v7 =	vimm.f32 $0.0e+00;
	v3 =	vimm.f32 $0.0e+00;
	v4 =	vimm.f32 $0.0e+00  }
0x3d: {  	s28 =	simm.s32 $0x80;
	s29 =	simm.s32 $0x400;
	v13 =	vld [tilespmem:s30+$0x1C760];
	v2 =	vimm.f32 $0.0e+00;
	v1 =	vimm.f32 $0.0e+00;
	v0 =	vadd.f32 v0, v5  }
.LBB2_2:
0x3e: {  	p0 =	sne.s32 s29, $0x3E00;
	v20 =	vld [tilespmem:s28+$0x18770];
	v19 =	vmul.f32 v19, v19;
	v12 =	vsub.f32 v17, v12  }
0x3f: {  	v17 =	vld [tilespmem:s28+$0x18700];
	v18 =	vmul.f32 v18, v18;
	v11 =	vsub.f32 v16, v11  }
0x40: {  	v16 =	vld [tilespmem:s28+$0x18710];
	v5 =	vadd.f32 v19, v5;
	v12 =	vmul.f32 v12, v12;
	v10 =	vsub.f32 v15, v10  }
0x41: {  	v15 =	vld [tilespmem:s28+$0x18720];
	v7 =	vadd.f32 v18, v7;
	v11 =	vmul.f32 v11, v11;
	v9 =	vsub.f32 v14, v9  }
0x42: {  	v14 =	vld [tilespmem:s28+$0x18730];
	v6 =	vadd.f32 v12, v6;
	v10 =	vmul.f32 v10, v10;
	v8 =	vsub.f32 v13, v8  }
0x43: {  	v13 =	vld [tilespmem:s28+$0x18740];
	v3 =	vadd.f32 v11, v3;
	v9 =	vmul.f32 v9, v9  }
0x44: {  	v18 =	vld [tilespmem:s28+$0x18750];
	v4 =	vadd.f32 v10, v4;
	v8 =	vmul.f32 v8, v8  }
0x45: {  	v19 =	vld [tilespmem:s28+$0x18760];
	v2 =	vadd.f32 v9, v2  }
0x46: {  	v9 =	vld.idx.msk [tilespmem:v20+s3+$0x0], $0xffff;
	v1 =	vadd.f32 v8, v1  }
0x47: {  	v8 =	vld [tilespmem:s28+$0x1C770]  }
0x48: {  	v20 =	vld.idx.msk [tilespmem:v17+s3+$0x0], $0xffff  }
0x49: {  	v21 =	vld.idx.msk [tilespmem:v16+s3+$0x0], $0xffff  }
0x4a: {  	v12 =	vld.idx.msk [tilespmem:v15+s3+$0x0], $0xffff  }
0x4b: {  	v11 =	vld.idx.msk [tilespmem:v14+s3+$0x0], $0xffff  }
0x4c: {  	v10 =	vld.idx.msk [tilespmem:v13+s3+$0x0], $0xffff;
	v13 =	vsub.f32 v8, v9  }
0x4d: {  	v9 =	vld.idx.msk [tilespmem:v18+s3+$0x0], $0xffff  }
0x4e: {  	v8 =	vld.idx.msk [tilespmem:v19+s3+$0x0], $0xffff;
	v13 =	vmul.f32 v13, v13  }
0x4f: {  	v14 =	vld [tilespmem:s28+$0x1C700]  }
0x50: {  	v18 =	vld [tilespmem:s28+$0x1C710];
	v0 =	vadd.f32 v13, v0  }
.Ltmp0:
0x51: {  	v17 =	vld [tilespmem:s28+$0x1C720];
	(pc) =	sbr.rel @p0 .LBB2_2-.Ltmp0, $4  }
0x52: {  	v16 =	vld [tilespmem:s28+$0x1C730]  }
0x53: {  	v15 =	vld [tilespmem:s28+$0x1C740]  }
0x54: {  	v19 =	vsub.f32 v14, v20;
	v14 =	vld [tilespmem:s28+$0x1C750]  }
0x55: {  	v18 =	vsub.f32 v18, v21;
	v13 =	vld [tilespmem:s28+$0x1C760];
	s28 =	sshra.s32 s29, $0x2;
	s29 =	sadd.s32 $0x200, s29  }
0x56: {  	v20 =	vld [tilespmem:s28+$0x18770]  }
0x57: {  	v21 =	vld [tilespmem:s28+$0x18700]  }
0x58: {  	v22 =	vld [tilespmem:s28+$0x18710]  }
0x59: {  	v23 =	vld [tilespmem:s28+$0x18720]  }
0x5a: {  	v24 =	vld [tilespmem:s28+$0x18730]  }
0x5b: {  	v25 =	vld [tilespmem:s28+$0x18740]  }
0x5c: {  	v26 =	vld [tilespmem:s28+$0x18750]  }
0x5d: {  	v27 =	vld [tilespmem:s28+$0x18760]  }
0x5e: {  	v28 =	vld [tilespmem:s28+$0x1C770]  }
0x5f: {  	v29 =	vld [tilespmem:s28+$0x1C700]  }
0x60: {  	v30 =	vld [tilespmem:s28+$0x1C710]  }
0x61: {  	v31 =	vld [tilespmem:s28+$0x1C720]  }
0x62: {  	v32 =	vld [tilespmem:s28+$0x1C730]  }
0x63: {  	v33 =	vld [tilespmem:s28+$0x1C740]  }
0x64: {  	v34 =	vld [tilespmem:s28+$0x1C750]  }
0x65: {  	v35 =	vld [tilespmem:s28+$0x1C760]  }
0x66: {  	v20 =	vld.idx.msk [tilespmem:v20+s3+$0x0], $0xffff  }
0x67: {  	v21 =	vld.idx.msk [tilespmem:v21+s3+$0x0], $0xffff  }
0x68: {  	v22 =	vld.idx.msk [tilespmem:v22+s3+$0x0], $0xffff  }
0x69: {  	v23 =	vld.idx.msk [tilespmem:v23+s3+$0x0], $0xffff  }
0x6a: {  	v24 =	vld.idx.msk [tilespmem:v24+s3+$0x0], $0xffff  }
0x6b: {  	v25 =	vld.idx.msk [tilespmem:v25+s3+$0x0], $0xffff  }
0x6c: {  	v26 =	vld.idx.msk [tilespmem:v26+s3+$0x0], $0xffff  }
0x6d: {  	v27 =	vld.idx.msk [tilespmem:v27+s3+$0x0], $0xffff;
	_ =	swait.ge [sflag:s24], $0x1000  }
0x6e: {  	[sflag:s24] =	ssyncset.done $0x0  }
0x6f: {  	s30 =	simm.s32 $0x0;
	[sflag:s24] =	ssyncadd.s32 $0xFFFFF000  }
0x70: {  	[tilespmem:s18], [sflag:$0x2] =	stream.strided.gather [hbm4b:s7+s16], $0x1000, s17, s16, $0x38;
	[tilespmem:$0x1E780] =	vst v63  }
0x71: {  	v36 =	vld [tilespmem:s30+$0x19770]  }
0x72: {  	v37 =	vld [tilespmem:s30+$0x19700]  }
0x73: {  	v38 =	vld [tilespmem:s30+$0x19710]  }
0x74: {  	v39 =	vld [tilespmem:s30+$0x19720]  }
0x75: {  	v40 =	vld [tilespmem:s30+$0x19730]  }
0x76: {  	v12 =	vsub.f32 v17, v12;
	v11 =	vsub.f32 v16, v11;
	v17 =	vld [tilespmem:s30+$0x19740]  }
0x77: {  	v19 =	vmul.f32 v19, v19;
	v18 =	vmul.f32 v18, v18;
	v16 =	vld [tilespmem:s30+$0x19750]  }
0x78: {  	v10 =	vsub.f32 v15, v10;
	v9 =	vsub.f32 v14, v9;
	v11 =	vmul.f32 v11, v11;
	v15 =	vld [tilespmem:s30+$0x19760]  }
0x79: {  	v5 =	vadd.f32 v19, v5;
	v12 =	vmul.f32 v12, v12;
	v7 =	vadd.f32 v18, v7;
	v18 =	vld [tilespmem:s30+$0x1D770]  }
0x7a: {  	v8 =	vsub.f32 v13, v8;
	v19 =	vadd.f32 v11, v3;
	v3 =	vmul.f32 v9, v9;
	v62 =	vld [tilespmem:s30+$0x1D700]  }
0x7b: {  	v6 =	vadd.f32 v12, v6;
	v10 =	vmul.f32 v10, v10;
	v12 =	vsub.f32 v28, v20;
	v14 =	vld.idx.msk [tilespmem:v36+s3+$0x0], $0xffff  }
0x7c: {  	v8 =	vmul.f32 v8, v8;
	v2 =	vadd.f32 v3, v2;
	v3 =	vsub.f32 v30, v22;
	v13 =	vld.idx.msk [tilespmem:v37+s3+$0x0], $0xffff  }
0x7d: {  	v20 =	vadd.f32 v10, v4;
	v4 =	vsub.f32 v29, v21;
	v9 =	vmul.f32 v12, v12;
	v59 =	vld.idx.msk [tilespmem:v38+s3+$0x0], $0xffff  }
0x7e: {  	v1 =	vadd.f32 v8, v1;
	v3 =	vmul.f32 v3, v3;
	v12 =	vld.idx.msk [tilespmem:v39+s3+$0x0], $0xffff  }
0x7f: {  	v61 =	vsub.f32 v32, v24;
	v60 =	vadd.f32 v9, v0;
	v0 =	vmul.f32 v4, v4;
	v11 =	vld.idx.msk [tilespmem:v40+s3+$0x0], $0xffff  }
0x80: {  	v3 =	vadd.f32 v3, v7;
	v10 =	vld.idx.msk [tilespmem:v17+s3+$0x0], $0xffff;
	v17 =	vsub.f32 v31, v23  }
0x81: {  	v4 =	vadd.f32 v0, v5;
	v0 =	vsub.f32 v33, v25;
	v9 =	vld.idx.msk [tilespmem:v16+s3+$0x0], $0xffff  }
0x82: {  	v8 =	vld.idx.msk [tilespmem:v15+s3+$0x0], $0xffff;
	v15 =	vsub.f32 v35, v27;
	v16 =	vmul.f32 v61, v61;
	v5 =	vmul.f32 v17, v17  }
0x83: {  	v7 =	vsub.f32 v34, v26;
	v0 =	vmul.f32 v0, v0;
	v14 =	vsub.f32 v18, v14;
	v18 =	vld [tilespmem:s30+$0x1D710]  }
0x84: {  	v17 =	vld [tilespmem:s30+$0x1D720];
	v6 =	vadd.f32 v5, v6;
	v5 =	vadd.f32 v16, v19;
	v19 =	vmul.f32 v15, v15  }
0x85: {  	v16 =	vld [tilespmem:s30+$0x1D730];
	v14 =	vmul.f32 v14, v14  }
0x86: {  	v63 =	vmul.f32 v7, v7;
	v7 =	vadd.f32 v0, v20;
	v15 =	vld [tilespmem:s30+$0x1D740];
	v0 =	vadd.f32 v19, v1  }
0x87: {  	v19 =	vsub.f32 v62, v13;
	v1 =	vadd.f32 v14, v60;
	v14 =	vld [tilespmem:s30+$0x1D750]  }
0x88: {  	s28 =	simm.s32 $0x80;
	s29 =	simm.s32 $0x400;
	v2 =	vadd.f32 v63, v2;
	v13 =	vld [tilespmem:s30+$0x1D760];
	v18 =	vsub.f32 v18, v59  }
.LBB2_4:
0x89: {  	p0 =	sne.s32 s29, $0x3E00;
	v20 =	vld [tilespmem:s28+$0x19770];
	v19 =	vmul.f32 v19, v19;
	v12 =	vsub.f32 v17, v12  }
0x8a: {  	v17 =	vld [tilespmem:s28+$0x19700];
	v18 =	vmul.f32 v18, v18;
	v11 =	vsub.f32 v16, v11  }
0x8b: {  	v16 =	vld [tilespmem:s28+$0x19710];
	v4 =	vadd.f32 v19, v4;
	v12 =	vmul.f32 v12, v12;
	v10 =	vsub.f32 v15, v10  }
0x8c: {  	v15 =	vld [tilespmem:s28+$0x19720];
	v3 =	vadd.f32 v18, v3;
	v11 =	vmul.f32 v11, v11;
	v9 =	vsub.f32 v14, v9  }
0x8d: {  	v14 =	vld [tilespmem:s28+$0x19730];
	v6 =	vadd.f32 v12, v6;
	v10 =	vmul.f32 v10, v10;
	v8 =	vsub.f32 v13, v8  }
0x8e: {  	v13 =	vld [tilespmem:s28+$0x19740];
	v5 =	vadd.f32 v11, v5;
	v9 =	vmul.f32 v9, v9  }
0x8f: {  	v18 =	vld [tilespmem:s28+$0x19750];
	v7 =	vadd.f32 v10, v7;
	v8 =	vmul.f32 v8, v8  }
0x90: {  	v19 =	vld [tilespmem:s28+$0x19760];
	v2 =	vadd.f32 v9, v2  }
0x91: {  	v9 =	vld.idx.msk [tilespmem:v20+s3+$0x0], $0xffff;
	v0 =	vadd.f32 v8, v0  }
0x92: {  	v8 =	vld [tilespmem:s28+$0x1D770]  }
0x93: {  	v20 =	vld.idx.msk [tilespmem:v17+s3+$0x0], $0xffff  }
0x94: {  	v21 =	vld.idx.msk [tilespmem:v16+s3+$0x0], $0xffff  }
0x95: {  	v12 =	vld.idx.msk [tilespmem:v15+s3+$0x0], $0xffff  }
0x96: {  	v11 =	vld.idx.msk [tilespmem:v14+s3+$0x0], $0xffff  }
0x97: {  	v10 =	vld.idx.msk [tilespmem:v13+s3+$0x0], $0xffff;
	v13 =	vsub.f32 v8, v9  }
0x98: {  	v9 =	vld.idx.msk [tilespmem:v18+s3+$0x0], $0xffff  }
0x99: {  	v8 =	vld.idx.msk [tilespmem:v19+s3+$0x0], $0xffff;
	v13 =	vmul.f32 v13, v13  }
0x9a: {  	v14 =	vld [tilespmem:s28+$0x1D700]  }
0x9b: {  	v18 =	vld [tilespmem:s28+$0x1D710];
	v1 =	vadd.f32 v13, v1  }
.Ltmp1:
0x9c: {  	v17 =	vld [tilespmem:s28+$0x1D720];
	(pc) =	sbr.rel @p0 .LBB2_4-.Ltmp1, $4  }
0x9d: {  	v16 =	vld [tilespmem:s28+$0x1D730]  }
0x9e: {  	v15 =	vld [tilespmem:s28+$0x1D740]  }
0x9f: {  	v19 =	vsub.f32 v14, v20;
	v14 =	vld [tilespmem:s28+$0x1D750]  }
0xa0: {  	v18 =	vsub.f32 v18, v21;
	v13 =	vld [tilespmem:s28+$0x1D760];
	s28 =	sshra.s32 s29, $0x2;
	s29 =	sadd.s32 $0x200, s29  }
0xa1: {  	v20 =	vld [tilespmem:s28+$0x19770]  }
0xa2: {  	v21 =	vld [tilespmem:s28+$0x19700]  }
0xa3: {  	v22 =	vld [tilespmem:s28+$0x19710]  }
0xa4: {  	v23 =	vld [tilespmem:s28+$0x19720]  }
0xa5: {  	v24 =	vld [tilespmem:s28+$0x19730]  }
0xa6: {  	v25 =	vld [tilespmem:s28+$0x19740]  }
0xa7: {  	v26 =	vld [tilespmem:s28+$0x19750]  }
0xa8: {  	v27 =	vld [tilespmem:s28+$0x19760]  }
0xa9: {  	v28 =	vld [tilespmem:s28+$0x1D770]  }
0xaa: {  	v29 =	vld [tilespmem:s28+$0x1D700]  }
0xab: {  	v30 =	vld [tilespmem:s28+$0x1D710]  }
0xac: {  	v31 =	vld [tilespmem:s28+$0x1D720]  }
0xad: {  	v32 =	vld [tilespmem:s28+$0x1D730]  }
0xae: {  	v33 =	vld [tilespmem:s28+$0x1D740]  }
0xaf: {  	v34 =	vld [tilespmem:s28+$0x1D750]  }
0xb0: {  	v35 =	vld [tilespmem:s28+$0x1D760]  }
0xb1: {  	v20 =	vld.idx.msk [tilespmem:v20+s3+$0x0], $0xffff  }
0xb2: {  	v21 =	vld.idx.msk [tilespmem:v21+s3+$0x0], $0xffff  }
0xb3: {  	v22 =	vld.idx.msk [tilespmem:v22+s3+$0x0], $0xffff  }
0xb4: {  	v23 =	vld.idx.msk [tilespmem:v23+s3+$0x0], $0xffff  }
0xb5: {  	v24 =	vld.idx.msk [tilespmem:v24+s3+$0x0], $0xffff  }
0xb6: {  	v25 =	vld.idx.msk [tilespmem:v25+s3+$0x0], $0xffff  }
0xb7: {  	v26 =	vld.idx.msk [tilespmem:v26+s3+$0x0], $0xffff  }
0xb8: {  	v27 =	vld.idx.msk [tilespmem:v27+s3+$0x0], $0xffff;
	_ =	swait.ge [sflag:s22], $0x1000  }
0xb9: {  	[sflag:s22] =	ssyncset.done $0x0  }
0xba: {  	s30 =	simm.s32 $0x0;
	[sflag:s22] =	ssyncadd.s32 $0xFFFFF000  }
0xbb: {  	[tilespmem:s23], [sflag:$0x3] =	stream.strided.gather [hbm4b:s8+s16], $0x1000, s17, s16, $0x38;
	[tilespmem:$0x1E780] =	vst v63  }
0xbc: {  	v36 =	vld [tilespmem:s30+$0x1A770]  }
0xbd: {  	v37 =	vld [tilespmem:s30+$0x1A700]  }
0xbe: {  	v38 =	vld [tilespmem:s30+$0x1A710]  }
0xbf: {  	v39 =	vld [tilespmem:s30+$0x1A720]  }
0xc0: {  	v40 =	vld [tilespmem:s30+$0x1A730]  }
0xc1: {  	v19 =	vmul.f32 v19, v19;
	v12 =	vsub.f32 v17, v12;
	v17 =	vld [tilespmem:s30+$0x1A740]  }
0xc2: {  	v18 =	vmul.f32 v18, v18;
	v11 =	vsub.f32 v16, v11;
	v16 =	vld [tilespmem:s30+$0x1A750]  }
0xc3: {  	v4 =	vadd.f32 v19, v4;
	v10 =	vsub.f32 v15, v10;
	v15 =	vld [tilespmem:s30+$0x1A760]  }
0xc4: {  	v12 =	vmul.f32 v12, v12;
	v3 =	vadd.f32 v18, v3;
	v9 =	vsub.f32 v14, v9;
	v18 =	vld [tilespmem:s30+$0x1C770]  }
0xc5: {  	v11 =	vmul.f32 v11, v11;
	v10 =	vmul.f32 v10, v10;
	v8 =	vsub.f32 v13, v8;
	v61 =	vld [tilespmem:s30+$0x1C700]  }
0xc6: {  	v6 =	vadd.f32 v12, v6;
	v9 =	vmul.f32 v9, v9;
	v12 =	vsub.f32 v28, v20;
	v14 =	vld.idx.msk [tilespmem:v36+s3+$0x0], $0xffff  }
0xc7: {  	v5 =	vadd.f32 v11, v5;
	v7 =	vadd.f32 v10, v7;
	v8 =	vmul.f32 v8, v8;
	v13 =	vld.idx.msk [tilespmem:v37+s3+$0x0], $0xffff  }
0xc8: {  	v2 =	vadd.f32 v9, v2;
	v10 =	vsub.f32 v29, v21;
	v19 =	vmul.f32 v12, v12;
	v20 =	vld.idx.msk [tilespmem:v38+s3+$0x0], $0xffff  }
0xc9: {  	v0 =	vadd.f32 v8, v0;
	v9 =	vsub.f32 v30, v22;
	v12 =	vld.idx.msk [tilespmem:v39+s3+$0x0], $0xffff  }
0xca: {  	v8 =	vmul.f32 v10, v10;
	v1 =	vadd.f32 v19, v1;
	v19 =	vsub.f32 v32, v24;
	v11 =	vld.idx.msk [tilespmem:v40+s3+$0x0], $0xffff  }
0xcb: {  	v62 =	vsub.f32 v35, v27;
	v10 =	vld.idx.msk [tilespmem:v17+s3+$0x0], $0xffff;
	v17 =	vsub.f32 v31, v23  }
0xcc: {  	v60 =	vmul.f32 v9, v9;
	v4 =	vadd.f32 v8, v4;
	v19 =	vmul.f32 v19, v19;
	v9 =	vld.idx.msk [tilespmem:v16+s3+$0x0], $0xffff  }
0xcd: {  	v16 =	vsub.f32 v33, v25;
	v8 =	vld.idx.msk [tilespmem:v15+s3+$0x0], $0xffff;
	v15 =	vmul.f32 v17, v17;
	v17 =	vsub.f32 v34, v26  }
0xce: {  	v5 =	vadd.f32 v19, v5;
	v19 =	vmul.f32 v62, v62;
	v14 =	vsub.f32 v18, v14;
	v18 =	vld [tilespmem:s30+$0x1C710]  }
0xcf: {  	v6 =	vadd.f32 v15, v6;
	v15 =	vmul.f32 v16, v16;
	v63 =	vmul.f32 v17, v17;
	v17 =	vld [tilespmem:s30+$0x1C720]  }
0xd0: {  	v3 =	vadd.f32 v60, v3;
	v16 =	vld [tilespmem:s30+$0x1C730];
	v14 =	vmul.f32 v14, v14  }
0xd1: {  	v0 =	vadd.f32 v19, v0;
	v7 =	vadd.f32 v15, v7;
	v15 =	vld [tilespmem:s30+$0x1C740]  }
0xd2: {  	v19 =	vsub.f32 v61, v13;
	v1 =	vadd.f32 v14, v1;
	v14 =	vld [tilespmem:s30+$0x1C750]  }
0xd3: {  	s28 =	simm.s32 $0x80;
	s29 =	simm.s32 $0x400;
	v13 =	vld [tilespmem:s30+$0x1C760];
	v2 =	vadd.f32 v63, v2;
	v18 =	vsub.f32 v18, v20  }
.LBB2_6:
0xd4: {  	p0 =	sne.s32 s29, $0x3E00;
	v20 =	vld [tilespmem:s28+$0x1A770];
	v19 =	vmul.f32 v19, v19;
	v12 =	vsub.f32 v17, v12  }
0xd5: {  	v17 =	vld [tilespmem:s28+$0x1A700];
	v18 =	vmul.f32 v18, v18;
	v11 =	vsub.f32 v16, v11  }
0xd6: {  	v16 =	vld [tilespmem:s28+$0x1A710];
	v4 =	vadd.f32 v19, v4;
	v12 =	vmul.f32 v12, v12;
	v10 =	vsub.f32 v15, v10  }
0xd7: {  	v15 =	vld [tilespmem:s28+$0x1A720];
	v3 =	vadd.f32 v18, v3;
	v11 =	vmul.f32 v11, v11;
	v9 =	vsub.f32 v14, v9  }
0xd8: {  	v14 =	vld [tilespmem:s28+$0x1A730];
	v6 =	vadd.f32 v12, v6;
	v10 =	vmul.f32 v10, v10;
	v8 =	vsub.f32 v13, v8  }
0xd9: {  	v13 =	vld [tilespmem:s28+$0x1A740];
	v5 =	vadd.f32 v11, v5;
	v9 =	vmul.f32 v9, v9  }
0xda: {  	v18 =	vld [tilespmem:s28+$0x1A750];
	v7 =	vadd.f32 v10, v7;
	v8 =	vmul.f32 v8, v8  }
0xdb: {  	v19 =	vld [tilespmem:s28+$0x1A760];
	v2 =	vadd.f32 v9, v2  }
0xdc: {  	v9 =	vld.idx.msk [tilespmem:v20+s3+$0x0], $0xffff;
	v0 =	vadd.f32 v8, v0  }
0xdd: {  	v8 =	vld [tilespmem:s28+$0x1C770]  }
0xde: {  	v20 =	vld.idx.msk [tilespmem:v17+s3+$0x0], $0xffff  }
0xdf: {  	v21 =	vld.idx.msk [tilespmem:v16+s3+$0x0], $0xffff  }
0xe0: {  	v12 =	vld.idx.msk [tilespmem:v15+s3+$0x0], $0xffff  }
0xe1: {  	v11 =	vld.idx.msk [tilespmem:v14+s3+$0x0], $0xffff  }
0xe2: {  	v10 =	vld.idx.msk [tilespmem:v13+s3+$0x0], $0xffff;
	v13 =	vsub.f32 v8, v9  }
0xe3: {  	v9 =	vld.idx.msk [tilespmem:v18+s3+$0x0], $0xffff  }
0xe4: {  	v8 =	vld.idx.msk [tilespmem:v19+s3+$0x0], $0xffff;
	v13 =	vmul.f32 v13, v13  }
0xe5: {  	v14 =	vld [tilespmem:s28+$0x1C700]  }
0xe6: {  	v18 =	vld [tilespmem:s28+$0x1C710];
	v1 =	vadd.f32 v13, v1  }
.Ltmp2:
0xe7: {  	v17 =	vld [tilespmem:s28+$0x1C720];
	(pc) =	sbr.rel @p0 .LBB2_6-.Ltmp2, $4  }
0xe8: {  	v16 =	vld [tilespmem:s28+$0x1C730]  }
0xe9: {  	v15 =	vld [tilespmem:s28+$0x1C740]  }
0xea: {  	v19 =	vsub.f32 v14, v20;
	v14 =	vld [tilespmem:s28+$0x1C750]  }
0xeb: {  	v18 =	vsub.f32 v18, v21;
	v13 =	vld [tilespmem:s28+$0x1C760];
	s28 =	sshra.s32 s29, $0x2;
	s29 =	sadd.s32 $0x200, s29  }
0xec: {  	v20 =	vld [tilespmem:s28+$0x1A770]  }
0xed: {  	v21 =	vld [tilespmem:s28+$0x1A700]  }
0xee: {  	v22 =	vld [tilespmem:s28+$0x1A710]  }
0xef: {  	v23 =	vld [tilespmem:s28+$0x1A720]  }
0xf0: {  	v24 =	vld [tilespmem:s28+$0x1A730]  }
0xf1: {  	v25 =	vld [tilespmem:s28+$0x1A740]  }
0xf2: {  	v26 =	vld [tilespmem:s28+$0x1A750]  }
0xf3: {  	v27 =	vld [tilespmem:s28+$0x1A760]  }
0xf4: {  	v28 =	vld [tilespmem:s28+$0x1C770]  }
0xf5: {  	v29 =	vld [tilespmem:s28+$0x1C700]  }
0xf6: {  	v30 =	vld [tilespmem:s28+$0x1C710]  }
0xf7: {  	v31 =	vld [tilespmem:s28+$0x1C720]  }
0xf8: {  	v32 =	vld [tilespmem:s28+$0x1C730]  }
0xf9: {  	v33 =	vld [tilespmem:s28+$0x1C740]  }
0xfa: {  	v34 =	vld [tilespmem:s28+$0x1C750]  }
0xfb: {  	v35 =	vld [tilespmem:s28+$0x1C760]  }
0xfc: {  	v20 =	vld.idx.msk [tilespmem:v20+s3+$0x0], $0xffff  }
0xfd: {  	v21 =	vld.idx.msk [tilespmem:v21+s3+$0x0], $0xffff  }
0xfe: {  	v22 =	vld.idx.msk [tilespmem:v22+s3+$0x0], $0xffff  }
0xff: {  	v23 =	vld.idx.msk [tilespmem:v23+s3+$0x0], $0xffff  }
0x100: {  	v24 =	vld.idx.msk [tilespmem:v24+s3+$0x0], $0xffff  }
0x101: {  	v25 =	vld.idx.msk [tilespmem:v25+s3+$0x0], $0xffff  }
0x102: {  	v26 =	vld.idx.msk [tilespmem:v26+s3+$0x0], $0xffff  }
0x103: {  	v27 =	vld.idx.msk [tilespmem:v27+s3+$0x0], $0xffff;
	_ =	swait.ge [sflag:s24], $0x1000  }
0x104: {  	[sflag:s24] =	ssyncset.done $0x0  }
0x105: {  	s30 =	simm.s32 $0x0;
	[sflag:s24] =	ssyncadd.s32 $0xFFFFF000  }
0x106: {  	v36 =	vld [tilespmem:s30+$0x1B770]  }
0x107: {  	v37 =	vld [tilespmem:s30+$0x1B700]  }
0x108: {  	v38 =	vld [tilespmem:s30+$0x1B710]  }
0x109: {  	v39 =	vld [tilespmem:s30+$0x1B720]  }
0x10a: {  	v40 =	vld [tilespmem:s30+$0x1B730]  }
0x10b: {  	v19 =	vmul.f32 v19, v19;
	v12 =	vsub.f32 v17, v12;
	v17 =	vld [tilespmem:s30+$0x1B740]  }
0x10c: {  	v18 =	vmul.f32 v18, v18;
	v11 =	vsub.f32 v16, v11;
	v16 =	vld [tilespmem:s30+$0x1B750]  }
0x10d: {  	v4 =	vadd.f32 v19, v4;
	v10 =	vsub.f32 v15, v10;
	v15 =	vld [tilespmem:s30+$0x1B760]  }
0x10e: {  	v12 =	vmul.f32 v12, v12;
	v3 =	vadd.f32 v18, v3;
	v9 =	vsub.f32 v14, v9;
	v18 =	vld [tilespmem:s30+$0x1D770]  }
0x10f: {  	v11 =	vmul.f32 v11, v11;
	v10 =	vmul.f32 v10, v10;
	v8 =	vsub.f32 v13, v8;
	v61 =	vld [tilespmem:s30+$0x1D700]  }
0x110: {  	v6 =	vadd.f32 v12, v6;
	v9 =	vmul.f32 v9, v9;
	v12 =	vsub.f32 v28, v20;
	v14 =	vld.idx.msk [tilespmem:v36+s3+$0x0], $0xffff  }
0x111: {  	v5 =	vadd.f32 v11, v5;
	v7 =	vadd.f32 v10, v7;
	v8 =	vmul.f32 v8, v8;
	v13 =	vld.idx.msk [tilespmem:v37+s3+$0x0], $0xffff  }
0x112: {  	v2 =	vadd.f32 v9, v2;
	v10 =	vsub.f32 v29, v21;
	v19 =	vmul.f32 v12, v12;
	v20 =	vld.idx.msk [tilespmem:v38+s3+$0x0], $0xffff  }
0x113: {  	v0 =	vadd.f32 v8, v0;
	v9 =	vsub.f32 v30, v22;
	v12 =	vld.idx.msk [tilespmem:v39+s3+$0x0], $0xffff  }
0x114: {  	v8 =	vmul.f32 v10, v10;
	v1 =	vadd.f32 v19, v1;
	v19 =	vsub.f32 v32, v24;
	v11 =	vld.idx.msk [tilespmem:v40+s3+$0x0], $0xffff  }
0x115: {  	v62 =	vsub.f32 v35, v27;
	v10 =	vld.idx.msk [tilespmem:v17+s3+$0x0], $0xffff;
	v17 =	vsub.f32 v31, v23  }
0x116: {  	v60 =	vmul.f32 v9, v9;
	v4 =	vadd.f32 v8, v4;
	v9 =	vld.idx.msk [tilespmem:v16+s3+$0x0], $0xffff;
	v19 =	vmul.f32 v19, v19  }
0x117: {  	v16 =	vsub.f32 v33, v25;
	v8 =	vld.idx.msk [tilespmem:v15+s3+$0x0], $0xffff;
	v15 =	vmul.f32 v17, v17;
	v17 =	vsub.f32 v34, v26  }
0x118: {  	v5 =	vadd.f32 v19, v5;
	v19 =	vmul.f32 v62, v62;
	v14 =	vsub.f32 v18, v14;
	v18 =	vld [tilespmem:s30+$0x1D710]  }
0x119: {  	v6 =	vadd.f32 v15, v6;
	v15 =	vmul.f32 v16, v16;
	v63 =	vmul.f32 v17, v17;
	v17 =	vld [tilespmem:s30+$0x1D720]  }
0x11a: {  	v3 =	vadd.f32 v60, v3;
	v16 =	vld [tilespmem:s30+$0x1D730];
	v14 =	vmul.f32 v14, v14  }
0x11b: {  	v0 =	vadd.f32 v19, v0;
	v7 =	vadd.f32 v15, v7;
	v15 =	vld [tilespmem:s30+$0x1D740]  }
0x11c: {  	v19 =	vsub.f32 v61, v13;
	v1 =	vadd.f32 v14, v1;
	v14 =	vld [tilespmem:s30+$0x1D750]  }
0x11d: {  	s28 =	simm.s32 $0x80;
	s29 =	simm.s32 $0x400;
	v13 =	vld [tilespmem:s30+$0x1D760];
	v2 =	vadd.f32 v63, v2;
	v18 =	vsub.f32 v18, v20  }
.LBB2_8:
0x11e: {  	p0 =	sne.s32 s29, $0x3E00;
	v20 =	vld [tilespmem:s28+$0x1B770];
	v19 =	vmul.f32 v19, v19;
	v12 =	vsub.f32 v17, v12  }
0x11f: {  	v17 =	vld [tilespmem:s28+$0x1B700];
	v18 =	vmul.f32 v18, v18;
	v11 =	vsub.f32 v16, v11  }
0x120: {  	v16 =	vld [tilespmem:s28+$0x1B710];
	v4 =	vadd.f32 v19, v4;
	v12 =	vmul.f32 v12, v12;
	v10 =	vsub.f32 v15, v10  }
0x121: {  	v15 =	vld [tilespmem:s28+$0x1B720];
	v3 =	vadd.f32 v18, v3;
	v11 =	vmul.f32 v11, v11;
	v9 =	vsub.f32 v14, v9  }
0x122: {  	v14 =	vld [tilespmem:s28+$0x1B730];
	v6 =	vadd.f32 v12, v6;
	v10 =	vmul.f32 v10, v10;
	v8 =	vsub.f32 v13, v8  }
0x123: {  	v13 =	vld [tilespmem:s28+$0x1B740];
	v5 =	vadd.f32 v11, v5;
	v9 =	vmul.f32 v9, v9  }
0x124: {  	v18 =	vld [tilespmem:s28+$0x1B750];
	v7 =	vadd.f32 v10, v7;
	v8 =	vmul.f32 v8, v8  }
0x125: {  	v19 =	vld [tilespmem:s28+$0x1B760];
	v2 =	vadd.f32 v9, v2  }
0x126: {  	v9 =	vld.idx.msk [tilespmem:v20+s3+$0x0], $0xffff;
	v0 =	vadd.f32 v8, v0  }
0x127: {  	v8 =	vld [tilespmem:s28+$0x1D770]  }
0x128: {  	v20 =	vld.idx.msk [tilespmem:v17+s3+$0x0], $0xffff  }
0x129: {  	v21 =	vld.idx.msk [tilespmem:v16+s3+$0x0], $0xffff  }
0x12a: {  	v12 =	vld.idx.msk [tilespmem:v15+s3+$0x0], $0xffff  }
0x12b: {  	v11 =	vld.idx.msk [tilespmem:v14+s3+$0x0], $0xffff  }
0x12c: {  	v10 =	vld.idx.msk [tilespmem:v13+s3+$0x0], $0xffff;
	v13 =	vsub.f32 v8, v9  }
0x12d: {  	v9 =	vld.idx.msk [tilespmem:v18+s3+$0x0], $0xffff  }
0x12e: {  	v8 =	vld.idx.msk [tilespmem:v19+s3+$0x0], $0xffff;
	v13 =	vmul.f32 v13, v13  }
0x12f: {  	v14 =	vld [tilespmem:s28+$0x1D700]  }
0x130: {  	v18 =	vld [tilespmem:s28+$0x1D710];
	v1 =	vadd.f32 v13, v1  }
.Ltmp3:
0x131: {  	v17 =	vld [tilespmem:s28+$0x1D720];
	(pc) =	sbr.rel @p0 .LBB2_8-.Ltmp3, $4  }
0x132: {  	v16 =	vld [tilespmem:s28+$0x1D730]  }
0x133: {  	v15 =	vld [tilespmem:s28+$0x1D740]  }
0x134: {  	v19 =	vsub.f32 v14, v20;
	v14 =	vld [tilespmem:s28+$0x1D750]  }
0x135: {  	v18 =	vsub.f32 v18, v21;
	v13 =	vld [tilespmem:s28+$0x1D760];
	s28 =	sshra.s32 s29, $0x2;
	s29 =	sadd.s32 $0x200, s29  }
0x136: {  	v20 =	vld [tilespmem:s28+$0x1B770]  }
0x137: {  	v21 =	vld [tilespmem:s28+$0x1B700]  }
0x138: {  	v22 =	vld [tilespmem:s28+$0x1B710]  }
0x139: {  	v23 =	vld [tilespmem:s28+$0x1B720]  }
0x13a: {  	v24 =	vld [tilespmem:s28+$0x1B730]  }
0x13b: {  	v25 =	vld [tilespmem:s28+$0x1B740]  }
0x13c: {  	v26 =	vld [tilespmem:s28+$0x1B750]  }
0x13d: {  	v27 =	vld [tilespmem:s28+$0x1B760]  }
0x13e: {  	v28 =	vld [tilespmem:s28+$0x1D770]  }
0x13f: {  	v29 =	vld [tilespmem:s28+$0x1D700]  }
0x140: {  	v30 =	vld [tilespmem:s28+$0x1D710]  }
0x141: {  	v31 =	vld [tilespmem:s28+$0x1D720]  }
0x142: {  	v32 =	vld [tilespmem:s28+$0x1D730]  }
0x143: {  	v33 =	vld [tilespmem:s28+$0x1D740]  }
0x144: {  	v34 =	vld [tilespmem:s28+$0x1D750]  }
0x145: {  	v35 =	vld [tilespmem:s28+$0x1D760]  }
0x146: {  	v20 =	vld.idx.msk [tilespmem:v20+s3+$0x0], $0xffff  }
0x147: {  	v21 =	vld.idx.msk [tilespmem:v21+s3+$0x0], $0xffff  }
0x148: {  	v22 =	vld.idx.msk [tilespmem:v22+s3+$0x0], $0xffff  }
0x149: {  	v23 =	vld.idx.msk [tilespmem:v23+s3+$0x0], $0xffff  }
0x14a: {  	v24 =	vld.idx.msk [tilespmem:v24+s3+$0x0], $0xffff  }
0x14b: {  	v25 =	vld.idx.msk [tilespmem:v25+s3+$0x0], $0xffff  }
0x14c: {  	s28 =	simm.s32 $0x0;
	v26 =	vld.idx.msk [tilespmem:v26+s3+$0x0], $0xffff  }
0x14d: {  	v27 =	vld.idx.msk [tilespmem:v27+s3+$0x0], $0xffff;
	[tilespmem:s28], [sflag:$0x1] =	stream.strided.gather [hbm4b:s9+s16], $0x18700, s17, s16, $0x38  }
0x14e: {  	_ = 	snop  }
0x14f: {  	[tilespmem:s18], [sflag:$0x2] =	stream.strided.gather [hbm4b:s10+s16], $0x1000, s17, s16, $0x38;
	[tilespmem:$0x1E780] =	vst v63  }
0x150: {  	_ =	swait.ge [sflag:s21], $0x18700  }
0x151: {  	[sflag:s21] =	ssyncset.done $0x0  }
0x152: {  	[sflag:s21] =	ssyncadd.s32 $0xFFFE7900  }
0x153: {  	_ =	swait.ge [sflag:s22], $0x1000  }
0x154: {  	[sflag:s22] =	ssyncset.done $0x0  }
0x155: {  	s30 =	simm.s32 $0x0;
	[sflag:s22] =	ssyncadd.s32 $0xFFFFF000  }
0x156: {  	[tilespmem:s23], [sflag:$0x3] =	stream.strided.gather [hbm4b:s11+s16], $0x1000, s17, s16, $0x38;
	[tilespmem:$0x1E780] =	vst v63  }
0x157: {  	v36 =	vld [tilespmem:s30+$0x18770]  }
0x158: {  	v37 =	vld [tilespmem:s30+$0x18700]  }
0x159: {  	v38 =	vld [tilespmem:s30+$0x18710]  }
0x15a: {  	v39 =	vld [tilespmem:s30+$0x18720]  }
0x15b: {  	v40 =	vld [tilespmem:s30+$0x18730]  }
0x15c: {  	v19 =	vmul.f32 v19, v19;
	v12 =	vsub.f32 v17, v12;
	v17 =	vld [tilespmem:s30+$0x18740]  }
0x15d: {  	v18 =	vmul.f32 v18, v18;
	v11 =	vsub.f32 v16, v11;
	v16 =	vld [tilespmem:s30+$0x18750]  }
0x15e: {  	v4 =	vadd.f32 v19, v4;
	v10 =	vsub.f32 v15, v10;
	v15 =	vld [tilespmem:s30+$0x18760]  }
0x15f: {  	v12 =	vmul.f32 v12, v12;
	v3 =	vadd.f32 v18, v3;
	v9 =	vsub.f32 v14, v9;
	v18 =	vld [tilespmem:s30+$0x1C770]  }
0x160: {  	v11 =	vmul.f32 v11, v11;
	v10 =	vmul.f32 v10, v10;
	v8 =	vsub.f32 v13, v8;
	v61 =	vld [tilespmem:s30+$0x1C700]  }
0x161: {  	v6 =	vadd.f32 v12, v6;
	v9 =	vmul.f32 v9, v9;
	v12 =	vsub.f32 v28, v20;
	v14 =	vld.idx.msk [tilespmem:v36+s3+$0x0], $0xffff  }
0x162: {  	v5 =	vadd.f32 v11, v5;
	v7 =	vadd.f32 v10, v7;
	v8 =	vmul.f32 v8, v8;
	v13 =	vld.idx.msk [tilespmem:v37+s3+$0x0], $0xffff  }
0x163: {  	v2 =	vadd.f32 v9, v2;
	v10 =	vsub.f32 v29, v21;
	v19 =	vmul.f32 v12, v12;
	v20 =	vld.idx.msk [tilespmem:v38+s3+$0x0], $0xffff  }
0x164: {  	v0 =	vadd.f32 v8, v0;
	v9 =	vsub.f32 v30, v22;
	v12 =	vld.idx.msk [tilespmem:v39+s3+$0x0], $0xffff  }
0x165: {  	v8 =	vmul.f32 v10, v10;
	v1 =	vadd.f32 v19, v1;
	v19 =	vsub.f32 v32, v24;
	v11 =	vld.idx.msk [tilespmem:v40+s3+$0x0], $0xffff  }
0x166: {  	v62 =	vsub.f32 v35, v27;
	v10 =	vld.idx.msk [tilespmem:v17+s3+$0x0], $0xffff;
	v17 =	vsub.f32 v31, v23  }
0x167: {  	v60 =	vmul.f32 v9, v9;
	v4 =	vadd.f32 v8, v4;
	v19 =	vmul.f32 v19, v19;
	v9 =	vld.idx.msk [tilespmem:v16+s3+$0x0], $0xffff  }
0x168: {  	v16 =	vsub.f32 v33, v25;
	v8 =	vld.idx.msk [tilespmem:v15+s3+$0x0], $0xffff;
	v15 =	vmul.f32 v17, v17;
	v17 =	vsub.f32 v34, v26  }
0x169: {  	v5 =	vadd.f32 v19, v5;
	v19 =	vmul.f32 v62, v62;
	v14 =	vsub.f32 v18, v14;
	v18 =	vld [tilespmem:s30+$0x1C710]  }
0x16a: {  	v6 =	vadd.f32 v15, v6;
	v15 =	vmul.f32 v16, v16;
	v63 =	vmul.f32 v17, v17;
	v17 =	vld [tilespmem:s30+$0x1C720]  }
0x16b: {  	v3 =	vadd.f32 v60, v3;
	v16 =	vld [tilespmem:s30+$0x1C730];
	v14 =	vmul.f32 v14, v14  }
0x16c: {  	v0 =	vadd.f32 v19, v0;
	v7 =	vadd.f32 v15, v7;
	v15 =	vld [tilespmem:s30+$0x1C740]  }
0x16d: {  	v19 =	vsub.f32 v61, v13;
	v1 =	vadd.f32 v14, v1;
	v14 =	vld [tilespmem:s30+$0x1C750]  }
0x16e: {  	s29 =	simm.s32 $0x400;
	s28 =	simm.s32 $0x80;
	v13 =	vld [tilespmem:s30+$0x1C760];
	v2 =	vadd.f32 v63, v2;
	v18 =	vsub.f32 v18, v20  }
.LBB2_10:
0x16f: {  	p0 =	sne.s32 s29, $0x3E00;
	v20 =	vld [tilespmem:s28+$0x18770];
	v19 =	vmul.f32 v19, v19;
	v12 =	vsub.f32 v17, v12  }
0x170: {  	v17 =	vld [tilespmem:s28+$0x18700];
	v18 =	vmul.f32 v18, v18;
	v11 =	vsub.f32 v16, v11  }
0x171: {  	v16 =	vld [tilespmem:s28+$0x18710];
	v4 =	vadd.f32 v19, v4;
	v12 =	vmul.f32 v12, v12;
	v10 =	vsub.f32 v15, v10  }
0x172: {  	v15 =	vld [tilespmem:s28+$0x18720];
	v3 =	vadd.f32 v18, v3;
	v11 =	vmul.f32 v11, v11;
	v9 =	vsub.f32 v14, v9  }
0x173: {  	v14 =	vld [tilespmem:s28+$0x18730];
	v6 =	vadd.f32 v12, v6;
	v10 =	vmul.f32 v10, v10;
	v8 =	vsub.f32 v13, v8  }
0x174: {  	v13 =	vld [tilespmem:s28+$0x18740];
	v5 =	vadd.f32 v11, v5;
	v9 =	vmul.f32 v9, v9  }
0x175: {  	v18 =	vld [tilespmem:s28+$0x18750];
	v7 =	vadd.f32 v10, v7;
	v8 =	vmul.f32 v8, v8  }
0x176: {  	v19 =	vld [tilespmem:s28+$0x18760];
	v2 =	vadd.f32 v9, v2  }
0x177: {  	v9 =	vld.idx.msk [tilespmem:v20+s3+$0x0], $0xffff;
	v0 =	vadd.f32 v8, v0  }
0x178: {  	v8 =	vld [tilespmem:s28+$0x1C770]  }
0x179: {  	v20 =	vld.idx.msk [tilespmem:v17+s3+$0x0], $0xffff  }
0x17a: {  	v21 =	vld.idx.msk [tilespmem:v16+s3+$0x0], $0xffff  }
0x17b: {  	v12 =	vld.idx.msk [tilespmem:v15+s3+$0x0], $0xffff  }
0x17c: {  	v11 =	vld.idx.msk [tilespmem:v14+s3+$0x0], $0xffff  }
0x17d: {  	v10 =	vld.idx.msk [tilespmem:v13+s3+$0x0], $0xffff;
	v13 =	vsub.f32 v8, v9  }
0x17e: {  	v9 =	vld.idx.msk [tilespmem:v18+s3+$0x0], $0xffff  }
0x17f: {  	v8 =	vld.idx.msk [tilespmem:v19+s3+$0x0], $0xffff;
	v13 =	vmul.f32 v13, v13  }
0x180: {  	v14 =	vld [tilespmem:s28+$0x1C700]  }
0x181: {  	v18 =	vld [tilespmem:s28+$0x1C710];
	v1 =	vadd.f32 v13, v1  }
.Ltmp4:
0x182: {  	v17 =	vld [tilespmem:s28+$0x1C720];
	(pc) =	sbr.rel @p0 .LBB2_10-.Ltmp4, $4  }
0x183: {  	v16 =	vld [tilespmem:s28+$0x1C730]  }
0x184: {  	v15 =	vld [tilespmem:s28+$0x1C740]  }
0x185: {  	v19 =	vsub.f32 v14, v20;
	v14 =	vld [tilespmem:s28+$0x1C750]  }
0x186: {  	v18 =	vsub.f32 v18, v21;
	v13 =	vld [tilespmem:s28+$0x1C760];
	s28 =	sshra.s32 s29, $0x2;
	s29 =	sadd.s32 $0x200, s29  }
0x187: {  	v20 =	vld [tilespmem:s28+$0x18770]  }
0x188: {  	v21 =	vld [tilespmem:s28+$0x18700]  }
0x189: {  	v22 =	vld [tilespmem:s28+$0x18710]  }
0x18a: {  	v23 =	vld [tilespmem:s28+$0x18720]  }
0x18b: {  	v24 =	vld [tilespmem:s28+$0x18730]  }
0x18c: {  	v25 =	vld [tilespmem:s28+$0x18740]  }
0x18d: {  	v26 =	vld [tilespmem:s28+$0x18750]  }
0x18e: {  	v27 =	vld [tilespmem:s28+$0x18760]  }
0x18f: {  	v28 =	vld [tilespmem:s28+$0x1C770]  }
0x190: {  	v29 =	vld [tilespmem:s28+$0x1C700]  }
0x191: {  	v30 =	vld [tilespmem:s28+$0x1C710]  }
0x192: {  	v31 =	vld [tilespmem:s28+$0x1C720]  }
0x193: {  	v32 =	vld [tilespmem:s28+$0x1C730]  }
0x194: {  	v33 =	vld [tilespmem:s28+$0x1C740]  }
0x195: {  	v34 =	vld [tilespmem:s28+$0x1C750]  }
0x196: {  	v35 =	vld [tilespmem:s28+$0x1C760]  }
0x197: {  	v20 =	vld.idx.msk [tilespmem:v20+s3+$0x0], $0xffff  }
0x198: {  	v21 =	vld.idx.msk [tilespmem:v21+s3+$0x0], $0xffff  }
0x199: {  	v22 =	vld.idx.msk [tilespmem:v22+s3+$0x0], $0xffff  }
0x19a: {  	v23 =	vld.idx.msk [tilespmem:v23+s3+$0x0], $0xffff  }
0x19b: {  	v24 =	vld.idx.msk [tilespmem:v24+s3+$0x0], $0xffff  }
0x19c: {  	v25 =	vld.idx.msk [tilespmem:v25+s3+$0x0], $0xffff  }
0x19d: {  	v26 =	vld.idx.msk [tilespmem:v26+s3+$0x0], $0xffff  }
0x19e: {  	v27 =	vld.idx.msk [tilespmem:v27+s3+$0x0], $0xffff;
	_ =	swait.ge [sflag:s24], $0x1000  }
0x19f: {  	[sflag:s24] =	ssyncset.done $0x0  }
0x1a0: {  	s30 =	simm.s32 $0x0;
	[sflag:s24] =	ssyncadd.s32 $0xFFFFF000  }
0x1a1: {  	[tilespmem:s18], [sflag:$0x2] =	stream.strided.gather [hbm4b:s12+s16], $0x1000, s17, s16, $0x38;
	[tilespmem:$0x1E780] =	vst v63  }
0x1a2: {  	v36 =	vld [tilespmem:s30+$0x19770]  }
0x1a3: {  	v37 =	vld [tilespmem:s30+$0x19700]  }
0x1a4: {  	v38 =	vld [tilespmem:s30+$0x19710]  }
0x1a5: {  	v39 =	vld [tilespmem:s30+$0x19720]  }
0x1a6: {  	v40 =	vld [tilespmem:s30+$0x19730]  }
0x1a7: {  	v19 =	vmul.f32 v19, v19;
	v12 =	vsub.f32 v17, v12;
	v17 =	vld [tilespmem:s30+$0x19740]  }
0x1a8: {  	v18 =	vmul.f32 v18, v18;
	v11 =	vsub.f32 v16, v11;
	v16 =	vld [tilespmem:s30+$0x19750]  }
0x1a9: {  	v4 =	vadd.f32 v19, v4;
	v10 =	vsub.f32 v15, v10;
	v15 =	vld [tilespmem:s30+$0x19760]  }
0x1aa: {  	v12 =	vmul.f32 v12, v12;
	v3 =	vadd.f32 v18, v3;
	v9 =	vsub.f32 v14, v9;
	v18 =	vld [tilespmem:s30+$0x1D770]  }
0x1ab: {  	v11 =	vmul.f32 v11, v11;
	v10 =	vmul.f32 v10, v10;
	v8 =	vsub.f32 v13, v8;
	v61 =	vld [tilespmem:s30+$0x1D700]  }
0x1ac: {  	v6 =	vadd.f32 v12, v6;
	v9 =	vmul.f32 v9, v9;
	v12 =	vsub.f32 v28, v20;
	v14 =	vld.idx.msk [tilespmem:v36+s3+$0x0], $0xffff  }
0x1ad: {  	v5 =	vadd.f32 v11, v5;
	v7 =	vadd.f32 v10, v7;
	v8 =	vmul.f32 v8, v8;
	v13 =	vld.idx.msk [tilespmem:v37+s3+$0x0], $0xffff  }
0x1ae: {  	v2 =	vadd.f32 v9, v2;
	v10 =	vsub.f32 v29, v21;
	v19 =	vmul.f32 v12, v12;
	v20 =	vld.idx.msk [tilespmem:v38+s3+$0x0], $0xffff  }
0x1af: {  	v0 =	vadd.f32 v8, v0;
	v9 =	vsub.f32 v30, v22;
	v12 =	vld.idx.msk [tilespmem:v39+s3+$0x0], $0xffff  }
0x1b0: {  	v8 =	vmul.f32 v10, v10;
	v1 =	vadd.f32 v19, v1;
	v19 =	vsub.f32 v32, v24;
	v11 =	vld.idx.msk [tilespmem:v40+s3+$0x0], $0xffff  }
0x1b1: {  	v62 =	vsub.f32 v35, v27;
	v10 =	vld.idx.msk [tilespmem:v17+s3+$0x0], $0xffff;
	v17 =	vsub.f32 v31, v23  }
0x1b2: {  	v60 =	vmul.f32 v9, v9;
	v4 =	vadd.f32 v8, v4;
	v19 =	vmul.f32 v19, v19;
	v9 =	vld.idx.msk [tilespmem:v16+s3+$0x0], $0xffff  }
0x1b3: {  	v16 =	vsub.f32 v33, v25;
	v8 =	vld.idx.msk [tilespmem:v15+s3+$0x0], $0xffff;
	v15 =	vmul.f32 v17, v17;
	v17 =	vsub.f32 v34, v26  }
0x1b4: {  	v5 =	vadd.f32 v19, v5;
	v19 =	vmul.f32 v62, v62;
	v14 =	vsub.f32 v18, v14;
	v18 =	vld [tilespmem:s30+$0x1D710]  }
0x1b5: {  	v6 =	vadd.f32 v15, v6;
	v15 =	vmul.f32 v16, v16;
	v63 =	vmul.f32 v17, v17;
	v17 =	vld [tilespmem:s30+$0x1D720]  }
0x1b6: {  	v3 =	vadd.f32 v60, v3;
	v16 =	vld [tilespmem:s30+$0x1D730];
	v14 =	vmul.f32 v14, v14  }
0x1b7: {  	v0 =	vadd.f32 v19, v0;
	v7 =	vadd.f32 v15, v7;
	v15 =	vld [tilespmem:s30+$0x1D740]  }
0x1b8: {  	v19 =	vsub.f32 v61, v13;
	v1 =	vadd.f32 v14, v1;
	v14 =	vld [tilespmem:s30+$0x1D750]  }
0x1b9: {  	s28 =	simm.s32 $0x80;
	s29 =	simm.s32 $0x400;
	v13 =	vld [tilespmem:s30+$0x1D760];
	v2 =	vadd.f32 v63, v2;
	v18 =	vsub.f32 v18, v20  }
.LBB2_12:
0x1ba: {  	p0 =	sne.s32 s29, $0x3E00;
	v20 =	vld [tilespmem:s28+$0x19770];
	v19 =	vmul.f32 v19, v19;
	v12 =	vsub.f32 v17, v12  }
0x1bb: {  	v17 =	vld [tilespmem:s28+$0x19700];
	v18 =	vmul.f32 v18, v18;
	v11 =	vsub.f32 v16, v11  }
0x1bc: {  	v16 =	vld [tilespmem:s28+$0x19710];
	v4 =	vadd.f32 v19, v4;
	v12 =	vmul.f32 v12, v12;
	v10 =	vsub.f32 v15, v10  }
0x1bd: {  	v15 =	vld [tilespmem:s28+$0x19720];
	v3 =	vadd.f32 v18, v3;
	v11 =	vmul.f32 v11, v11;
	v9 =	vsub.f32 v14, v9  }
0x1be: {  	v14 =	vld [tilespmem:s28+$0x19730];
	v6 =	vadd.f32 v12, v6;
	v10 =	vmul.f32 v10, v10;
	v8 =	vsub.f32 v13, v8  }
0x1bf: {  	v13 =	vld [tilespmem:s28+$0x19740];
	v5 =	vadd.f32 v11, v5;
	v9 =	vmul.f32 v9, v9  }
0x1c0: {  	v18 =	vld [tilespmem:s28+$0x19750];
	v7 =	vadd.f32 v10, v7;
	v8 =	vmul.f32 v8, v8  }
0x1c1: {  	v19 =	vld [tilespmem:s28+$0x19760];
	v2 =	vadd.f32 v9, v2  }
0x1c2: {  	v9 =	vld.idx.msk [tilespmem:v20+s3+$0x0], $0xffff;
	v0 =	vadd.f32 v8, v0  }
0x1c3: {  	v8 =	vld [tilespmem:s28+$0x1D770]  }
0x1c4: {  	v20 =	vld.idx.msk [tilespmem:v17+s3+$0x0], $0xffff  }
0x1c5: {  	v21 =	vld.idx.msk [tilespmem:v16+s3+$0x0], $0xffff  }
0x1c6: {  	v12 =	vld.idx.msk [tilespmem:v15+s3+$0x0], $0xffff  }
0x1c7: {  	v11 =	vld.idx.msk [tilespmem:v14+s3+$0x0], $0xffff  }
0x1c8: {  	v10 =	vld.idx.msk [tilespmem:v13+s3+$0x0], $0xffff;
	v13 =	vsub.f32 v8, v9  }
0x1c9: {  	v9 =	vld.idx.msk [tilespmem:v18+s3+$0x0], $0xffff  }
0x1ca: {  	v8 =	vld.idx.msk [tilespmem:v19+s3+$0x0], $0xffff;
	v13 =	vmul.f32 v13, v13  }
0x1cb: {  	v14 =	vld [tilespmem:s28+$0x1D700]  }
0x1cc: {  	v18 =	vld [tilespmem:s28+$0x1D710];
	v1 =	vadd.f32 v13, v1  }
.Ltmp5:
0x1cd: {  	v17 =	vld [tilespmem:s28+$0x1D720];
	(pc) =	sbr.rel @p0 .LBB2_12-.Ltmp5, $4  }
0x1ce: {  	v16 =	vld [tilespmem:s28+$0x1D730]  }
0x1cf: {  	v15 =	vld [tilespmem:s28+$0x1D740]  }
0x1d0: {  	v19 =	vsub.f32 v14, v20;
	v14 =	vld [tilespmem:s28+$0x1D750]  }
0x1d1: {  	v18 =	vsub.f32 v18, v21;
	v13 =	vld [tilespmem:s28+$0x1D760];
	s28 =	sshra.s32 s29, $0x2;
	s29 =	sadd.s32 $0x200, s29  }
0x1d2: {  	v20 =	vld [tilespmem:s28+$0x19770]  }
0x1d3: {  	v21 =	vld [tilespmem:s28+$0x19700]  }
0x1d4: {  	v22 =	vld [tilespmem:s28+$0x19710]  }
0x1d5: {  	v23 =	vld [tilespmem:s28+$0x19720]  }
0x1d6: {  	v24 =	vld [tilespmem:s28+$0x19730]  }
0x1d7: {  	v25 =	vld [tilespmem:s28+$0x19740]  }
0x1d8: {  	v26 =	vld [tilespmem:s28+$0x19750]  }
0x1d9: {  	v27 =	vld [tilespmem:s28+$0x19760]  }
0x1da: {  	v28 =	vld [tilespmem:s28+$0x1D770]  }
0x1db: {  	v29 =	vld [tilespmem:s28+$0x1D700]  }
0x1dc: {  	v30 =	vld [tilespmem:s28+$0x1D710]  }
0x1dd: {  	v31 =	vld [tilespmem:s28+$0x1D720]  }
0x1de: {  	v32 =	vld [tilespmem:s28+$0x1D730]  }
0x1df: {  	v33 =	vld [tilespmem:s28+$0x1D740]  }
0x1e0: {  	v34 =	vld [tilespmem:s28+$0x1D750]  }
0x1e1: {  	v35 =	vld [tilespmem:s28+$0x1D760]  }
0x1e2: {  	v20 =	vld.idx.msk [tilespmem:v20+s3+$0x0], $0xffff  }
0x1e3: {  	v21 =	vld.idx.msk [tilespmem:v21+s3+$0x0], $0xffff  }
0x1e4: {  	v22 =	vld.idx.msk [tilespmem:v22+s3+$0x0], $0xffff  }
0x1e5: {  	v23 =	vld.idx.msk [tilespmem:v23+s3+$0x0], $0xffff  }
0x1e6: {  	v24 =	vld.idx.msk [tilespmem:v24+s3+$0x0], $0xffff  }
0x1e7: {  	v25 =	vld.idx.msk [tilespmem:v25+s3+$0x0], $0xffff  }
0x1e8: {  	v26 =	vld.idx.msk [tilespmem:v26+s3+$0x0], $0xffff  }
0x1e9: {  	v27 =	vld.idx.msk [tilespmem:v27+s3+$0x0], $0xffff;
	_ =	swait.ge [sflag:s22], $0x1000  }
0x1ea: {  	[sflag:s22] =	ssyncset.done $0x0  }
0x1eb: {  	s30 =	simm.s32 $0x0;
	[sflag:s22] =	ssyncadd.s32 $0xFFFFF000  }
0x1ec: {  	[tilespmem:s23], [sflag:$0x3] =	stream.strided.gather [hbm4b:s13+s16], $0x1000, s17, s16, $0x38;
	[tilespmem:$0x1E780] =	vst v63  }
0x1ed: {  	v36 =	vld [tilespmem:s30+$0x1A770]  }
0x1ee: {  	v37 =	vld [tilespmem:s30+$0x1A700]  }
0x1ef: {  	v38 =	vld [tilespmem:s30+$0x1A710]  }
0x1f0: {  	v39 =	vld [tilespmem:s30+$0x1A720]  }
0x1f1: {  	v40 =	vld [tilespmem:s30+$0x1A730]  }
0x1f2: {  	v19 =	vmul.f32 v19, v19;
	v12 =	vsub.f32 v17, v12;
	v17 =	vld [tilespmem:s30+$0x1A740]  }
0x1f3: {  	v18 =	vmul.f32 v18, v18;
	v11 =	vsub.f32 v16, v11;
	v16 =	vld [tilespmem:s30+$0x1A750]  }
0x1f4: {  	v4 =	vadd.f32 v19, v4;
	v10 =	vsub.f32 v15, v10;
	v15 =	vld [tilespmem:s30+$0x1A760]  }
0x1f5: {  	v12 =	vmul.f32 v12, v12;
	v3 =	vadd.f32 v18, v3;
	v9 =	vsub.f32 v14, v9;
	v18 =	vld [tilespmem:s30+$0x1C770]  }
0x1f6: {  	v11 =	vmul.f32 v11, v11;
	v10 =	vmul.f32 v10, v10;
	v8 =	vsub.f32 v13, v8;
	v61 =	vld [tilespmem:s30+$0x1C700]  }
0x1f7: {  	v6 =	vadd.f32 v12, v6;
	v9 =	vmul.f32 v9, v9;
	v12 =	vsub.f32 v28, v20;
	v14 =	vld.idx.msk [tilespmem:v36+s3+$0x0], $0xffff  }
0x1f8: {  	v5 =	vadd.f32 v11, v5;
	v7 =	vadd.f32 v10, v7;
	v8 =	vmul.f32 v8, v8;
	v13 =	vld.idx.msk [tilespmem:v37+s3+$0x0], $0xffff  }
0x1f9: {  	v2 =	vadd.f32 v9, v2;
	v10 =	vsub.f32 v29, v21;
	v19 =	vmul.f32 v12, v12;
	v20 =	vld.idx.msk [tilespmem:v38+s3+$0x0], $0xffff  }
0x1fa: {  	v0 =	vadd.f32 v8, v0;
	v9 =	vsub.f32 v30, v22;
	v12 =	vld.idx.msk [tilespmem:v39+s3+$0x0], $0xffff  }
0x1fb: {  	v8 =	vmul.f32 v10, v10;
	v1 =	vadd.f32 v19, v1;
	v19 =	vsub.f32 v32, v24;
	v11 =	vld.idx.msk [tilespmem:v40+s3+$0x0], $0xffff  }
0x1fc: {  	v62 =	vsub.f32 v35, v27;
	v10 =	vld.idx.msk [tilespmem:v17+s3+$0x0], $0xffff;
	v17 =	vsub.f32 v31, v23  }
0x1fd: {  	v60 =	vmul.f32 v9, v9;
	v4 =	vadd.f32 v8, v4;
	v19 =	vmul.f32 v19, v19;
	v9 =	vld.idx.msk [tilespmem:v16+s3+$0x0], $0xffff  }
0x1fe: {  	v16 =	vsub.f32 v33, v25;
	v8 =	vld.idx.msk [tilespmem:v15+s3+$0x0], $0xffff;
	v15 =	vmul.f32 v17, v17;
	v17 =	vsub.f32 v34, v26  }
0x1ff: {  	v5 =	vadd.f32 v19, v5;
	v19 =	vmul.f32 v62, v62;
	v14 =	vsub.f32 v18, v14;
	v18 =	vld [tilespmem:s30+$0x1C710]  }
0x200: {  	v6 =	vadd.f32 v15, v6;
	v15 =	vmul.f32 v16, v16;
	v63 =	vmul.f32 v17, v17;
	v17 =	vld [tilespmem:s30+$0x1C720]  }
0x201: {  	v3 =	vadd.f32 v60, v3;
	v16 =	vld [tilespmem:s30+$0x1C730];
	v14 =	vmul.f32 v14, v14  }
0x202: {  	v0 =	vadd.f32 v19, v0;
	v7 =	vadd.f32 v15, v7;
	v15 =	vld [tilespmem:s30+$0x1C740]  }
0x203: {  	v19 =	vsub.f32 v61, v13;
	v1 =	vadd.f32 v14, v1;
	v14 =	vld [tilespmem:s30+$0x1C750]  }
0x204: {  	s28 =	simm.s32 $0x80;
	s29 =	simm.s32 $0x400;
	v13 =	vld [tilespmem:s30+$0x1C760];
	v2 =	vadd.f32 v63, v2;
	v18 =	vsub.f32 v18, v20  }
.LBB2_14:
0x205: {  	p0 =	sne.s32 s29, $0x3E00;
	v20 =	vld [tilespmem:s28+$0x1A770];
	v19 =	vmul.f32 v19, v19;
	v12 =	vsub.f32 v17, v12  }
0x206: {  	v17 =	vld [tilespmem:s28+$0x1A700];
	v18 =	vmul.f32 v18, v18;
	v11 =	vsub.f32 v16, v11  }
0x207: {  	v16 =	vld [tilespmem:s28+$0x1A710];
	v4 =	vadd.f32 v19, v4;
	v12 =	vmul.f32 v12, v12;
	v10 =	vsub.f32 v15, v10  }
0x208: {  	v15 =	vld [tilespmem:s28+$0x1A720];
	v3 =	vadd.f32 v18, v3;
	v11 =	vmul.f32 v11, v11;
	v9 =	vsub.f32 v14, v9  }
0x209: {  	v14 =	vld [tilespmem:s28+$0x1A730];
	v6 =	vadd.f32 v12, v6;
	v10 =	vmul.f32 v10, v10;
	v8 =	vsub.f32 v13, v8  }
0x20a: {  	v13 =	vld [tilespmem:s28+$0x1A740];
	v5 =	vadd.f32 v11, v5;
	v9 =	vmul.f32 v9, v9  }
0x20b: {  	v18 =	vld [tilespmem:s28+$0x1A750];
	v7 =	vadd.f32 v10, v7;
	v8 =	vmul.f32 v8, v8  }
0x20c: {  	v19 =	vld [tilespmem:s28+$0x1A760];
	v2 =	vadd.f32 v9, v2  }
0x20d: {  	v9 =	vld.idx.msk [tilespmem:v20+s3+$0x0], $0xffff;
	v0 =	vadd.f32 v8, v0  }
0x20e: {  	v8 =	vld [tilespmem:s28+$0x1C770]  }
0x20f: {  	v20 =	vld.idx.msk [tilespmem:v17+s3+$0x0], $0xffff  }
0x210: {  	v21 =	vld.idx.msk [tilespmem:v16+s3+$0x0], $0xffff  }
0x211: {  	v12 =	vld.idx.msk [tilespmem:v15+s3+$0x0], $0xffff  }
0x212: {  	v11 =	vld.idx.msk [tilespmem:v14+s3+$0x0], $0xffff  }
0x213: {  	v10 =	vld.idx.msk [tilespmem:v13+s3+$0x0], $0xffff;
	v13 =	vsub.f32 v8, v9  }
0x214: {  	v9 =	vld.idx.msk [tilespmem:v18+s3+$0x0], $0xffff  }
0x215: {  	v8 =	vld.idx.msk [tilespmem:v19+s3+$0x0], $0xffff;
	v13 =	vmul.f32 v13, v13  }
0x216: {  	v14 =	vld [tilespmem:s28+$0x1C700]  }
0x217: {  	v18 =	vld [tilespmem:s28+$0x1C710];
	v1 =	vadd.f32 v13, v1  }
.Ltmp6:
0x218: {  	v17 =	vld [tilespmem:s28+$0x1C720];
	(pc) =	sbr.rel @p0 .LBB2_14-.Ltmp6, $4  }
0x219: {  	v16 =	vld [tilespmem:s28+$0x1C730]  }
0x21a: {  	v15 =	vld [tilespmem:s28+$0x1C740]  }
0x21b: {  	v19 =	vsub.f32 v14, v20;
	v14 =	vld [tilespmem:s28+$0x1C750]  }
0x21c: {  	v18 =	vsub.f32 v18, v21;
	v13 =	vld [tilespmem:s28+$0x1C760];
	s28 =	sshra.s32 s29, $0x2;
	s29 =	sadd.s32 $0x200, s29  }
0x21d: {  	v20 =	vld [tilespmem:s28+$0x1A770]  }
0x21e: {  	v21 =	vld [tilespmem:s28+$0x1A700]  }
0x21f: {  	v22 =	vld [tilespmem:s28+$0x1A710]  }
0x220: {  	v23 =	vld [tilespmem:s28+$0x1A720]  }
0x221: {  	v24 =	vld [tilespmem:s28+$0x1A730]  }
0x222: {  	v25 =	vld [tilespmem:s28+$0x1A740]  }
0x223: {  	v26 =	vld [tilespmem:s28+$0x1A750]  }
0x224: {  	v27 =	vld [tilespmem:s28+$0x1A760]  }
0x225: {  	v28 =	vld [tilespmem:s28+$0x1C770]  }
0x226: {  	v29 =	vld [tilespmem:s28+$0x1C700]  }
0x227: {  	v30 =	vld [tilespmem:s28+$0x1C710]  }
0x228: {  	v31 =	vld [tilespmem:s28+$0x1C720]  }
0x229: {  	v32 =	vld [tilespmem:s28+$0x1C730]  }
0x22a: {  	v33 =	vld [tilespmem:s28+$0x1C740]  }
0x22b: {  	v34 =	vld [tilespmem:s28+$0x1C750]  }
0x22c: {  	v35 =	vld [tilespmem:s28+$0x1C760]  }
0x22d: {  	v20 =	vld.idx.msk [tilespmem:v20+s3+$0x0], $0xffff  }
0x22e: {  	v21 =	vld.idx.msk [tilespmem:v21+s3+$0x0], $0xffff  }
0x22f: {  	v22 =	vld.idx.msk [tilespmem:v22+s3+$0x0], $0xffff  }
0x230: {  	v23 =	vld.idx.msk [tilespmem:v23+s3+$0x0], $0xffff  }
0x231: {  	v24 =	vld.idx.msk [tilespmem:v24+s3+$0x0], $0xffff  }
0x232: {  	v25 =	vld.idx.msk [tilespmem:v25+s3+$0x0], $0xffff  }
0x233: {  	v26 =	vld.idx.msk [tilespmem:v26+s3+$0x0], $0xffff  }
0x234: {  	v27 =	vld.idx.msk [tilespmem:v27+s3+$0x0], $0xffff;
	_ =	swait.ge [sflag:s24], $0x1000  }
0x235: {  	[sflag:s24] =	ssyncset.done $0x0  }
0x236: {  	s30 =	simm.s32 $0x0;
	[sflag:s24] =	ssyncadd.s32 $0xFFFFF000  }
0x237: {  	v36 =	vld [tilespmem:s30+$0x1B770]  }
0x238: {  	v37 =	vld [tilespmem:s30+$0x1B700]  }
0x239: {  	v38 =	vld [tilespmem:s30+$0x1B710]  }
0x23a: {  	v39 =	vld [tilespmem:s30+$0x1B720]  }
0x23b: {  	v40 =	vld [tilespmem:s30+$0x1B730]  }
0x23c: {  	v19 =	vmul.f32 v19, v19;
	v12 =	vsub.f32 v17, v12;
	v17 =	vld [tilespmem:s30+$0x1B740]  }
0x23d: {  	v18 =	vmul.f32 v18, v18;
	v11 =	vsub.f32 v16, v11;
	v16 =	vld [tilespmem:s30+$0x1B750]  }
0x23e: {  	v4 =	vadd.f32 v19, v4;
	v12 =	vmul.f32 v12, v12;
	v10 =	vsub.f32 v15, v10;
	v15 =	vld [tilespmem:s30+$0x1B760]  }
0x23f: {  	v3 =	vadd.f32 v18, v3;
	v9 =	vsub.f32 v14, v9;
	v19 =	vld [tilespmem:s30+$0x1D770]  }
0x240: {  	v11 =	vmul.f32 v11, v11;
	v18 =	vadd.f32 v12, v6;
	v6 =	vmul.f32 v10, v10;
	v62 =	vld [tilespmem:s30+$0x1D700]  }
0x241: {  	v8 =	vsub.f32 v13, v8;
	v63 =	vld [tilespmem:s30+$0x1D710];
	v10 =	vsub.f32 v28, v20  }
0x242: {  	v59 =	vadd.f32 v6, v7;
	v20 =	vadd.f32 v11, v5;
	v5 =	vmul.f32 v9, v9;
	v14 =	vld.idx.msk [tilespmem:v36+s3+$0x0], $0xffff  }
0x243: {  	v7 =	vmul.f32 v8, v8;
	v6 =	vsub.f32 v29, v21;
	v8 =	vmul.f32 v10, v10;
	v13 =	vld.idx.msk [tilespmem:v37+s3+$0x0], $0xffff  }
0x244: {  	v2 =	vadd.f32 v5, v2;
	v5 =	vsub.f32 v30, v22;
	v60 =	vld.idx.msk [tilespmem:v38+s3+$0x0], $0xffff  }
0x245: {  	v0 =	vadd.f32 v7, v0;
	v61 =	vadd.f32 v8, v1;
	v1 =	vmul.f32 v6, v6;
	v12 =	vld.idx.msk [tilespmem:v39+s3+$0x0], $0xffff  }
0x246: {  	v7 =	vsub.f32 v31, v23;
	v6 =	vmul.f32 v5, v5;
	v10 =	vld.idx.msk [tilespmem:v17+s3+$0x0], $0xffff;
	v17 =	vsub.f32 v32, v24  }
0x247: {  	v11 =	vld.idx.msk [tilespmem:v40+s3+$0x0], $0xffff;
	v5 =	vadd.f32 v1, v4;
	v1 =	vsub.f32 v33, v25  }
0x248: {  	v8 =	vld.idx.msk [tilespmem:v15+s3+$0x0], $0xffff;
	v6 =	vadd.f32 v6, v3;
	v3 =	vmul.f32 v7, v7;
	v15 =	vsub.f32 v35, v27  }
0x249: {  	v9 =	vld.idx.msk [tilespmem:v16+s3+$0x0], $0xffff;
	v4 =	vsub.f32 v34, v26;
	v16 =	vmul.f32 v17, v17;
	v14 =	vsub.f32 v19, v14  }
0x24a: {  	v7 =	vadd.f32 v3, v18;
	v1 =	vmul.f32 v1, v1;
	v17 =	vld [tilespmem:s30+$0x1D720];
	v19 =	vmul.f32 v15, v15  }
0x24b: {  	v18 =	vmul.f32 v4, v4;
	v4 =	vadd.f32 v16, v20;
	v16 =	vld [tilespmem:s30+$0x1D730];
	v14 =	vmul.f32 v14, v14  }
0x24c: {  	v3 =	vadd.f32 v1, v59;
	v15 =	vld [tilespmem:s30+$0x1D740];
	v1 =	vadd.f32 v19, v0  }
0x24d: {  	v19 =	vsub.f32 v62, v13;
	v0 =	vadd.f32 v14, v61;
	v14 =	vld [tilespmem:s30+$0x1D750]  }
0x24e: {  	s28 =	simm.s32 $0x80;
	s29 =	simm.s32 $0x400;
	v2 =	vadd.f32 v18, v2;
	v18 =	vsub.f32 v63, v60;
	v13 =	vld [tilespmem:s30+$0x1D760]  }
.LBB2_16:
0x24f: {  	p0 =	sne.s32 s29, $0x3E00;
	v20 =	vld [tilespmem:s28+$0x1B770];
	v19 =	vmul.f32 v19, v19;
	v12 =	vsub.f32 v17, v12  }
0x250: {  	v17 =	vld [tilespmem:s28+$0x1B700];
	v18 =	vmul.f32 v18, v18;
	v11 =	vsub.f32 v16, v11  }
0x251: {  	v16 =	vld [tilespmem:s28+$0x1B710];
	v5 =	vadd.f32 v19, v5;
	v12 =	vmul.f32 v12, v12;
	v10 =	vsub.f32 v15, v10  }
0x252: {  	v15 =	vld [tilespmem:s28+$0x1B720];
	v6 =	vadd.f32 v18, v6;
	v11 =	vmul.f32 v11, v11;
	v9 =	vsub.f32 v14, v9  }
0x253: {  	v14 =	vld [tilespmem:s28+$0x1B730];
	v7 =	vadd.f32 v12, v7;
	v10 =	vmul.f32 v10, v10;
	v8 =	vsub.f32 v13, v8  }
0x254: {  	v13 =	vld [tilespmem:s28+$0x1B740];
	v4 =	vadd.f32 v11, v4;
	v9 =	vmul.f32 v9, v9  }
0x255: {  	v18 =	vld [tilespmem:s28+$0x1B750];
	v3 =	vadd.f32 v10, v3;
	v8 =	vmul.f32 v8, v8  }
0x256: {  	v19 =	vld [tilespmem:s28+$0x1B760];
	v2 =	vadd.f32 v9, v2  }
0x257: {  	v9 =	vld.idx.msk [tilespmem:v20+s3+$0x0], $0xffff;
	v1 =	vadd.f32 v8, v1  }
0x258: {  	v8 =	vld [tilespmem:s28+$0x1D770]  }
0x259: {  	v20 =	vld.idx.msk [tilespmem:v17+s3+$0x0], $0xffff  }
0x25a: {  	v21 =	vld.idx.msk [tilespmem:v16+s3+$0x0], $0xffff  }
0x25b: {  	v12 =	vld.idx.msk [tilespmem:v15+s3+$0x0], $0xffff  }
0x25c: {  	v11 =	vld.idx.msk [tilespmem:v14+s3+$0x0], $0xffff  }
0x25d: {  	v10 =	vld.idx.msk [tilespmem:v13+s3+$0x0], $0xffff;
	v13 =	vsub.f32 v8, v9  }
0x25e: {  	v9 =	vld.idx.msk [tilespmem:v18+s3+$0x0], $0xffff  }
0x25f: {  	v8 =	vld.idx.msk [tilespmem:v19+s3+$0x0], $0xffff;
	v13 =	vmul.f32 v13, v13  }
0x260: {  	v14 =	vld [tilespmem:s28+$0x1D700]  }
0x261: {  	v18 =	vld [tilespmem:s28+$0x1D710];
	v0 =	vadd.f32 v13, v0  }
.Ltmp7:
0x262: {  	v17 =	vld [tilespmem:s28+$0x1D720];
	(pc) =	sbr.rel @p0 .LBB2_16-.Ltmp7, $4  }
0x263: {  	v16 =	vld [tilespmem:s28+$0x1D730]  }
0x264: {  	v15 =	vld [tilespmem:s28+$0x1D740]  }
0x265: {  	v19 =	vsub.f32 v14, v20;
	v14 =	vld [tilespmem:s28+$0x1D750]  }
0x266: {  	v18 =	vsub.f32 v18, v21;
	v13 =	vld [tilespmem:s28+$0x1D760];
	s28 =	sshra.s32 s29, $0x2;
	s29 =	sadd.s32 $0x200, s29  }
0x267: {  	v20 =	vld [tilespmem:s28+$0x1B700]  }
0x268: {  	v21 =	vld [tilespmem:s28+$0x1B710]  }
0x269: {  	v22 =	vld [tilespmem:s28+$0x1B720]  }
0x26a: {  	v23 =	vld [tilespmem:s28+$0x1B770]  }
0x26b: {  	v24 =	vld [tilespmem:s28+$0x1B730]  }
0x26c: {  	v25 =	vld [tilespmem:s28+$0x1B740]  }
0x26d: {  	v26 =	vld [tilespmem:s28+$0x1B750]  }
0x26e: {  	v27 =	vld [tilespmem:s28+$0x1B760]  }
0x26f: {  	v28 =	vld [tilespmem:s28+$0x1D700]  }
0x270: {  	v29 =	vld [tilespmem:s28+$0x1D710]  }
0x271: {  	v42 =	vld [tilespmem:s28+$0x1D720]  }
0x272: {  	v20 =	vld.idx.msk [tilespmem:v20+s3+$0x0], $0xffff  }
0x273: {  	v21 =	vld.idx.msk [tilespmem:v21+s3+$0x0], $0xffff  }
0x274: {  	v19 =	vmul.f32 v19, v19;
	v43 =	vld [tilespmem:s28+$0x1D730]  }
0x275: {  	v12 =	vsub.f32 v17, v12;
	v41 =	vmul.f32 v18, v18;
	v22 =	vld.idx.msk [tilespmem:v22+s3+$0x0], $0xffff  }
0x276: {  	v11 =	vsub.f32 v16, v11;
	v5 =	vadd.f32 v19, v5;
	v24 =	vld.idx.msk [tilespmem:v24+s3+$0x0], $0xffff  }
0x277: {  	v47 =	vld [tilespmem:s28+$0x1D740];
	v10 =	vsub.f32 v15, v10;
	v12 =	vmul.f32 v12, v12;
	v6 =	vadd.f32 v41, v6  }
0x278: {  	v44 =	vld.idx.msk [tilespmem:v25+s3+$0x0], $0xffff;
	v45 =	vsub.f32 v28, v20;
	v46 =	vsub.f32 v29, v21  }
0x279: {  	v50 =	vld [tilespmem:s28+$0x1D750];
	v9 =	vsub.f32 v14, v9;
	v7 =	vadd.f32 v12, v7  }
0x27a: {  	v48 =	vld.idx.msk [tilespmem:v26+s3+$0x0], $0xffff;
	v49 =	vsub.f32 v42, v22;
	v17 =	vmul.f32 v45, v45;
	v19 =	vmul.f32 v46, v46  }
0x27b: {  	v53 =	vld [tilespmem:s28+$0x1D760];
	v11 =	vmul.f32 v11, v11;
	v8 =	vsub.f32 v13, v8;
	v51 =	vsub.f32 v43, v24  }
0x27c: {  	v52 =	vld.idx.msk [tilespmem:v27+s3+$0x0], $0xffff;
	v14 =	vmul.f32 v49, v49;
	v5 =	vadd.f32 v17, v5;
	v6 =	vadd.f32 v19, v6  }
0x27d: {  	v55 =	vld [tilespmem:s28+$0x1D770];
	v10 =	vmul.f32 v10, v10;
	v4 =	vadd.f32 v11, v4;
	v15 =	vsub.f32 v47, v44  }
0x27e: {  	v54 =	vld.idx.msk [tilespmem:v23+s3+$0x0], $0xffff;
	v13 =	vmul.f32 v51, v51;
	v7 =	vadd.f32 v14, v7;
	v5 =	vadd.f32 v6, v5  }
0x27f: {  	v56 =	vmul.f32 v9, v9;
	v3 =	vadd.f32 v10, v3;
	v57 =	vsub.f32 v50, v48  }
0x280: {  	v58 =	vmul.f32 v15, v15;
	v4 =	vadd.f32 v13, v4;
	v5 =	vadd.f32 v7, v5  }
0x281: {  	v59 =	vmul.f32 v8, v8;
	v2 =	vadd.f32 v56, v2;
	v60 =	vsub.f32 v53, v52  }
0x282: {  	v61 =	vmul.f32 v57, v57;
	v3 =	vadd.f32 v58, v3;
	v4 =	vadd.f32 v4, v5  }
0x283: {  	v1 =	vadd.f32 v59, v1;
	v62 =	vsub.f32 v55, v54  }
0x284: {  	v2 =	vadd.f32 v61, v2;
	v6 =	vmul.f32 v60, v60;
	v3 =	vadd.f32 v3, v4;
	_ =	sdelay $0x1  }
0x285: {  	v63 =	vmul.f32 v62, v62;
	v1 =	vadd.f32 v6, v1;
	v2 =	vadd.f32 v2, v3;
	_ =	sdelay $0x1  }
0x286: {  	v0 =	vadd.f32 v63, v0;
	v1 =	vadd.f32 v1, v2;
	_ =	sdelay $0x1  }
0x287: {  	s26 =	sadd.s32 $0x1, s26;
	v0 =	vadd.f32 v0, v1  }
0x288: {  	p0 =	sne.s32 s26, s15  }
.Ltmp8:
0x289: {  	[tilespmem:$0x1E700] =	vst v0;
	(pc) =	sbr.rel @p0 .LBB2_1-.Ltmp8, $4  }
0x28a: {  	[hbm4b:s14+s3] =	stream.linear.scatter [tilespmem:s25], [sflag:$0x4], $0x80, $0x38;
	[tilespmem:$0x1E780] =	vst v63  }
0x28b: {  	_ =	swait.ge [sflag:s20], $0x80  }
0x28c: {  	[sflag:s20] =	ssyncset.done $0x0  }
0x28d: {  	[sflag:s20] =	ssyncadd.s32 $0xFFFFFF80  }
0x28e: {  	_ =	sfence.sel $0x180000  }
0x28f: {  	[bflag:$0x0] =	sbarrier.arrive $0xFFFF  }
0x290: {  	p0 =	sne.s32 s2, $0x0;
	_ =	strace $0x90000047  }
0x291: {  	s0 =	sadd.s32 @!p0 $0x100000, s1;
	[bflag:$0x2] =	sbarrier.arrive $0xFFFF  }
0x292: {  	[sflag:s0] =	ssyncadd.tile.s32 @!p0 $0x1;
	_ =	shalt  }
.Lfunc_end2:
_tile_overlayer_lowered:
.L_overlay_start_2:
0x293: {  	(tag) =	ssettag $0x2  }
0x294: {  	s0 =	rddreg [dreg:$0x0];
	s2 =	stileid.u32  }
0x295: {  	s1 =	rddreg [dreg:$0x1];
	p0 =	sne.s32 s2, $0x0  }
0x296: {  	s3 =	rddreg [dreg:$0x2];
	[bflag:$0x3] =	sbarrier.arrive $0xFFFF;
	s2 =	simm.s32 @!p0 $0x1C04  }
0x297: {  	[timem:s3], [sflag:s2] =	dma.local @!p0 [hbm:s0], s1  }
0x298: {  	s0 =	simm.s32 @!p0 $0x4  }
0x299: {  	_ =	swait.ge @!p0 [sflag:s0], s1  }
0x29a: {  	s1 =	ssub.s32 @!p0 $0x0, s1;
	[sflag:s0] =	ssyncset.done @!p0 $0x0  }
0x29b: {  	[sflag:s0] =	ssyncadd.s32 @!p0 s1  }
0x29c: {  	[bflag:$0x3] =	sbarrier.arrive $0xFFFF  }
0x29d: {  	_ =	shalt  }

</sc_bundles>
